<compile_context>
chip_gen: v7x
topology: tpu7x:2x2x1
jax: 0.10.2.dev20260603
libtpu: 0.0.44.dev20260713+nightly
codegen_flags: <defaults>
</compile_context>

<pallas_src>
import functools

import jax
import jax.numpy as jnp
from jax import lax
from jax.experimental import pallas as pl
from jax.experimental.pallas import tpu as pltpu
from jax.experimental.pallas import tpu_sc as plsc

K = 32
L = 16
ROWS = 128
N = 32768
NCHUNKS = N // L
CAP = 4096
NW = 32
ROWS_PER_W = ROWS // NW


def _sort_asc(v):
    return plsc.sort_key_val(v, v)[0]


def _sort_desc(v):
    return plsc.sort_key_val(v, v, descending=True)[0]


def _merge(H1, H2, c):
    hi = jnp.maximum(_sort_asc(H2), _sort_desc(c))
    s_h1 = _sort_asc(H1)
    s_hi = _sort_desc(hi)
    H1n = jnp.maximum(s_h1, s_hi)
    H2n = jnp.minimum(s_h1, s_hi)
    thetaSn = jnp.broadcast_to(jnp.min(H2n), (L,))
    return H1n, H2n, thetaSn


def _body(x_hbm, out_hbm, rowbuf, outrow, bufV, bufI, outIbuf, off_ref):
    wid = lax.axis_index("c") * 16 + lax.axis_index("s")
    zeros16 = jnp.zeros((L,), jnp.float32)
    iota16 = lax.broadcasted_iota(jnp.int32, (L,), 0)

    def _z(kk, _):
        outrow[pl.ds(kk * L, L)] = zeros16
        return 0
    lax.fori_loop(0, NCHUNKS, _z, 0)

    def row_body(r, _):
        rowbase = (wid * ROWS_PER_W + r) * N
        pltpu.sync_copy(x_hbm.at[pl.ds(rowbase, N)], rowbuf)

        c0 = rowbuf[pl.ds(0, L)]
        c1 = rowbuf[pl.ds(L, L)]
        s0 = _sort_asc(c0)
        s1 = _sort_desc(c1)
        H1 = jnp.maximum(s0, s1)
        H2 = jnp.minimum(s0, s1)
        thetaS = jnp.broadcast_to(jnp.min(H2), (L,))
        bufV[pl.ds(0, L)] = c0
        bufI[pl.ds(0, L)] = iota16
        bufV[pl.ds(L, L)] = c1
        bufI[pl.ds(L, L)] = iota16 + L
        off_ref[0] = 2 * L

        def handle_chunk(c, base_i, carry):
            H1, H2, thetaS = carry
            hit = jnp.any(c > thetaS)

            def _hitfn(H1, H2, thetaS):
                off = off_ref[0]

                @pl.when(off >= CAP - L)
                def _compact():
                    noff = off_ref[0]

                    def comp_body(j, w):
                        cv = bufV[pl.ds(j * L, L)]
                        keep = jnp.any(cv >= thetaS)

                        @pl.when(keep)
                        def _wr():
                            bufV[pl.ds(w, L)] = cv
                            bufI[pl.ds(w, L)] = bufI[pl.ds(j * L, L)]
                        return w + jnp.where(keep, L, 0)

                    w = lax.fori_loop(0, noff // L, comp_body, 0)
                    off_ref[0] = w

                off2 = off_ref[0]
                bufV[pl.ds(off2, L)] = c
                bufI[pl.ds(off2, L)] = iota16 + base_i
                off_ref[0] = off2 + L
                return _merge(H1, H2, c)

            return lax.cond(
                hit, _hitfn, lambda a, b, c_: (a, b, c_), H1, H2, thetaS)

        carry = (H1, H2, thetaS)
        for i in (2, 3):
            carry = handle_chunk(rowbuf[pl.ds(i * L, L)], i * L, carry)

        def group_body(g, carry):
            base = g * 4 * L
            c0 = rowbuf[pl.ds(base, L)]
            c1 = rowbuf[pl.ds(base + L, L)]
            c2 = rowbuf[pl.ds(base + 2 * L, L)]
            c3 = rowbuf[pl.ds(base + 3 * L, L)]
            mx = jnp.maximum(jnp.maximum(c0, c1), jnp.maximum(c2, c3))
            ghit = jnp.any(mx > carry[2])

            def _gfn(H1, H2, thetaS):
                cr = (H1, H2, thetaS)
                cr = handle_chunk(c0, base, cr)
                cr = handle_chunk(c1, base + L, cr)
                cr = handle_chunk(c2, base + 2 * L, cr)
                cr = handle_chunk(c3, base + 3 * L, cr)
                return cr

            return lax.cond(
                ghit, _gfn, lambda a, b, c_: (a, b, c_), *carry)

        H1, H2, thetaS = lax.fori_loop(1, NCHUNKS // 4, group_body, carry)
        tS = thetaS

        nbc = off_ref[0] // L

        def gt_body(j, acc):
            v = bufV[pl.ds(j * L, L)]
            return acc + jnp.sum((v > tS).astype(jnp.int32))

        gt_total = lax.fori_loop(0, nbc, gt_body, jnp.int32(0))
        need = K - gt_total

        def sel_body(j, carry):
            gpos, eqb = carry
            v = bufV[pl.ds(j * L, L)]
            ii = bufI[pl.ds(j * L, L)]
            m_gt = v > tS
            m_eqr = v == tS
            r_gt = plsc.cumsum(m_gt.astype(jnp.int32))
            r_eq = plsc.cumsum(m_eqr.astype(jnp.int32))
            keep_eq = m_eqr & (eqb + r_eq <= need)
            keep = m_gt | keep_eq
            plsc.store_scatter(outrow, [ii], jnp.maximum(v, 0.0), mask=keep)
            pos = jnp.where(m_gt, gpos + r_gt - 1, K - (eqb + r_eq))
            pos = jnp.minimum(jnp.maximum(pos, 0), K - 1)
            plsc.store_scatter(outIbuf, [pos], ii, mask=keep)
            return (gpos + jnp.sum(m_gt.astype(jnp.int32)),
                    eqb + jnp.sum(m_eqr.astype(jnp.int32)))

        lax.fori_loop(0, nbc, sel_body, (jnp.int32(0), jnp.int32(0)))

        pltpu.sync_copy(outrow, out_hbm.at[pl.ds(rowbase, N)])
        i0 = outIbuf[pl.ds(0, L)]
        i1 = outIbuf[pl.ds(L, L)]
        plsc.store_scatter(outrow, [i0], zeros16)
        plsc.store_scatter(outrow, [i1], zeros16)
        return 0

    lax.fori_loop(0, ROWS_PER_W, row_body, 0)


def kernel(x):
    mesh = plsc.VectorSubcoreMesh(core_axis_name="c", subcore_axis_name="s")
    f = functools.partial(
        pl.kernel,
        mesh=mesh,
        compiler_params=pltpu.CompilerParams(needs_layout_passes=False),
        out_type=jax.ShapeDtypeStruct((ROWS * N,), jnp.float32),
        scratch_types=[
            pltpu.VMEM((N,), jnp.float32),
            pltpu.VMEM((N,), jnp.float32),
            pltpu.VMEM((CAP,), jnp.float32),
            pltpu.VMEM((CAP,), jnp.int32),
            pltpu.VMEM((K,), jnp.int32),
            pltpu.SMEM((1,), jnp.int32),
        ],
    )(_body)
    out = f(x.reshape(-1))
    return out.reshape(ROWS, N)

# --- scband reference (transcript-rebuilt; emitter-appended) ---
"""Pipeline reference for scband-top-k-16655883174209 (READ-ONLY COPY).

The authoritative reference and input builder live on the scoring server;
editing this copy changes nothing except your own understanding.
"""

import jax, jax.numpy as jnp
import numpy as np

K = 32

def setup_inputs(seed: int = 0) -> dict:
    key = jax.random.key(seed)
    x = jax.random.normal(key, (128, 32768), dtype=jnp.float32)
    return {"x": x}

def reference(x):
    # torch.topk along last dim
    values, indices = jax.lax.top_k(x, K)
    # postact_fn = ReLU
    values = jax.nn.relu(values)
    # scatter values back into zeros at topk indices along dim=-1
    result = jnp.zeros_like(x)
    rows = jnp.arange(x.shape[0])[:, None]
    result = result.at[rows, indices].set(values)
    return result

if __name__ == "__main__":
    import jax
    _d = setup_inputs()
    print(jax.jit(kernel)(*tuple(_d.values())))

</pallas_src>

<mosaic_0001>
#map = affine_map<(d0, d1) -> (0)>
module attributes {stable_mosaic.version = 14 : i64} {
  func.func @_body(%arg0: i32, %arg1: i32, %arg2: memref<4194304xf32, #tpu.memory_space<hbm>>, %arg3: memref<4194304xf32, #tpu.memory_space<hbm>>, %arg4: memref<32768xf32, #tpu.memory_space<vmem>>, %arg5: memref<32768xf32, #tpu.memory_space<vmem>>, %arg6: memref<4096xf32, #tpu.memory_space<vmem>>, %arg7: memref<4096xi32, #tpu.memory_space<vmem>>, %arg8: memref<32xi32, #tpu.memory_space<vmem>>, %arg9: memref<1xi32, #tpu.memory_space<smem>>) attributes {dimension_semantics = [#tpu.dimension_semantics<core_parallel>, #tpu.dimension_semantics<subcore_parallel>], iteration_bounds = array<i64: 2, 16>, scalar_prefetch = 0 : i64, scratch_operands = 6 : i64, tpu.core_type = #tpu.core_type<sc_vector_subcore>, window_params = [{transform_indices = #map}, {transform_indices = #map}]} {
    %mul3A = arith.constant 16 : i32
    %mul3A_0 = arith.muli %arg0, %mul3A : i32
    %add3A = arith.addi %mul3A_0, %arg1 : i32
    %broadcast_in_dim3A = arith.constant 0.000000e+00 : f32
    %broadcast_in_dim3A_1 = vector.broadcast %broadcast_in_dim3A : f32 to vector<16xf32>
    %iota3A = tpu.iota {dimensions = array<i32: 0>} : vector<16xi32>
    %scan3A = arith.constant 0 : i32
    %scan3A_2 = arith.constant 0 : i32
    %scan3A_3 = arith.constant 2048 : i32
    %scan3A_4 = arith.addi %scan3A_2, %scan3A_3 : i32
    %scan3A_5 = arith.constant 1 : i32
    %scan3A_6 = scf.for %scan3A_15 = %scan3A_2 to %scan3A_4 step %scan3A_5 iter_args(%scan3A_16 = %scan3A) -> (i32)  : i32 {
      %mul3A_17 = arith.constant 16 : i32
      %mul3A_18 = arith.muli %scan3A_15, %mul3A_17 : i32
      %swap3A = arith.index_cast %mul3A_18 : i32 to index
      %swap3A_19 = tpu.vector_load %arg5[%swap3A] {strides = array<i32>} : memref<32768xf32, #tpu.memory_space<vmem>>, vector<16xf32>,
      tpu.vector_store %arg5[%swap3A], %broadcast_in_dim3A_1 {strides = array<i32>} : memref<32768xf32, #tpu.memory_space<vmem>>, vector<16xf32>,
      %scan3A_20 = arith.constant 0 : i32
      scf.yield %scan3A_20 : i32
    }
    %scan3A_7 = arith.constant 2048 : i32
    %scan3A_8 = arith.constant 0 : i32
    %scan3A_9 = arith.constant 0 : i32
    %scan3A_10 = arith.constant 4 : i32
    %scan3A_11 = arith.addi %scan3A_9, %scan3A_10 : i32
    %scan3A_12 = arith.constant 1 : i32
    %scan3A_13 = scf.for %scan3A_15 = %scan3A_9 to %scan3A_11 step %scan3A_12 iter_args(%scan3A_16 = %scan3A_8) -> (i32)  : i32 {
      %mul3A_17 = arith.constant 4 : i32
      %mul3A_18 = arith.muli %add3A, %mul3A_17 : i32
      %add3A_19 = arith.addi %mul3A_18, %scan3A_15 : i32
      %mul3A_20 = arith.constant 32768 : i32
      %mul3A_21 = arith.muli %add3A_19, %mul3A_20 : i32
      "tpu.region"() ({
        %run_scoped3A = tpu.sem_alloc : memref<!tpu.dma_semaphore, #tpu.memory_space<semaphore_mem>>
        %dma_start3A = tpu.memref_slice %arg2[%mul3A_21] : memref<4194304xf32, #tpu.memory_space<hbm>> -> memref<32768xf32, #tpu.memory_space<hbm>>
        %dma_start3A_138 = tpu.memref_slice %arg2[%mul3A_21] : memref<4194304xf32, #tpu.memory_space<hbm>> -> memref<32768xf32, #tpu.memory_space<hbm>>
        tpu.enqueue_dma source(%dma_start3A_138 : memref<32768xf32, #tpu.memory_space<hbm>>) target(%arg4 : memref<32768xf32, #tpu.memory_space<vmem>>) target_semaphore(%run_scoped3A : memref<!tpu.dma_semaphore, #tpu.memory_space<semaphore_mem>>)
        %dma_wait3A = tpu.memref_slice %arg2[%mul3A_21] : memref<4194304xf32, #tpu.memory_space<hbm>> -> memref<32768xf32, #tpu.memory_space<hbm>>
        %dma_wait3A_139 = tpu.memref_slice %arg2[%mul3A_21] : memref<4194304xf32, #tpu.memory_space<hbm>> -> memref<32768xf32, #tpu.memory_space<hbm>>
        tpu.wait_dma2 semaphore(%run_scoped3A : memref<!tpu.dma_semaphore, #tpu.memory_space<semaphore_mem>>) src(%dma_wait3A_139 : memref<32768xf32, #tpu.memory_space<hbm>>) dst(%arg4 : memref<32768xf32, #tpu.memory_space<vmem>>)
        tpu.yield
      }) : () -> ()
      %get3A = arith.constant 0 : index
      %get3A_22 = tpu.vector_load %arg4[%get3A] {strides = array<i32>} : memref<32768xf32, #tpu.memory_space<vmem>>, vector<16xf32>,
      %get3A_23 = arith.constant 16 : index
      %get3A_24 = tpu.vector_load %arg4[%get3A_23] {strides = array<i32>} : memref<32768xf32, #tpu.memory_space<vmem>>, vector<16xf32>,
      %masked_sort3A = arith.constant dense<true> : vector<16xi1>
      %masked_sort3A_25, %masked_sort3A_26, %masked_sort3A_27 = tpu.sort %get3A_22, %get3A_22 masked %masked_sort3A : (vector<16xf32>, vector<16xf32>, vector<16xi1>) -> (vector<16xi1>, vector<16xf32>, vector<16xf32>)
      %masked_sort3A_28 = arith.constant dense<true> : vector<16xi1>
      %masked_sort3A_29, %masked_sort3A_30, %masked_sort3A_31 = tpu.sort %get3A_24, %get3A_24 masked %masked_sort3A_28 {descending = true} : (vector<16xf32>, vector<16xf32>, vector<16xi1>) -> (vector<16xi1>, vector<16xf32>, vector<16xf32>)
      %max3A = arith.maximumf %masked_sort3A_26, %masked_sort3A_30 : vector<16xf32>
      %min3A = arith.minimumf %masked_sort3A_26, %masked_sort3A_30 : vector<16xf32>
      %reduce_min3A = arith.constant true
      %reduce_min3A_32 = vector.broadcast %reduce_min3A : i1 to vector<16xi1>
      %reduce_min3A_33 = tpu.scan <min>, %min3A masked %reduce_min3A_32 : vector<16xf32>, vector<16xi1> -> vector<16xf32>
      %reduce_min3A_34 = vector.extract %reduce_min3A_33[15] : f32 from vector<16xf32>
      %broadcast_in_dim3A_35 = vector.broadcast %reduce_min3A_34 : f32 to vector<16xf32>
      %swap3A = arith.constant 0 : index
      %swap3A_36 = tpu.vector_load %arg6[%swap3A] {strides = array<i32>} : memref<4096xf32, #tpu.memory_space<vmem>>, vector<16xf32>,
      tpu.vector_store %arg6[%swap3A], %get3A_22 {strides = array<i32>} : memref<4096xf32, #tpu.memory_space<vmem>>, vector<16xf32>,
      %swap3A_37 = arith.constant 0 : index
      %swap3A_38 = tpu.vector_load %arg7[%swap3A_37] {strides = array<i32>} : memref<4096xi32, #tpu.memory_space<vmem>>, vector<16xi32>,
      tpu.vector_store %arg7[%swap3A_37], %iota3A {strides = array<i32>} : memref<4096xi32, #tpu.memory_space<vmem>>, vector<16xi32>,
      %swap3A_39 = arith.constant 16 : index
      %swap3A_40 = tpu.vector_load %arg6[%swap3A_39] {strides = array<i32>} : memref<4096xf32, #tpu.memory_space<vmem>>, vector<16xf32>,
      tpu.vector_store %arg6[%swap3A_39], %get3A_24 {strides = array<i32>} : memref<4096xf32, #tpu.memory_space<vmem>>, vector<16xf32>,
      %add3A_41 = arith.constant 16 : i32
      %add3A_42 = vector.broadcast %add3A_41 : i32 to vector<16xi32>
      %add3A_43 = arith.addi %iota3A, %add3A_42 : vector<16xi32>
      %swap3A_44 = arith.constant 16 : index
      %swap3A_45 = tpu.vector_load %arg7[%swap3A_44] {strides = array<i32>} : memref<4096xi32, #tpu.memory_space<vmem>>, vector<16xi32>,
      tpu.vector_store %arg7[%swap3A_44], %add3A_43 {strides = array<i32>} : memref<4096xi32, #tpu.memory_space<vmem>>, vector<16xi32>,
      %swap3A_46 = arith.constant 32 : i32
      %swap3A_47 = arith.constant 0 : i32
      %swap3A_48 = arith.index_cast %swap3A_47 : i32 to index
      %swap3A_49 = memref.load %arg9[%swap3A_48] : memref<1xi32, #tpu.memory_space<smem>>
      memref.store %swap3A_46, %arg9[%swap3A_48] : memref<1xi32, #tpu.memory_space<smem>>
      %get3A_50 = arith.constant 32 : index
      %get3A_51 = tpu.vector_load %arg4[%get3A_50] {strides = array<i32>} : memref<32768xf32, #tpu.memory_space<vmem>>, vector<16xf32>,
      %gt3A = arith.cmpf ogt, %get3A_51, %broadcast_in_dim3A_35 : vector<16xf32>
      %reduce_or3A = arith.constant 1.000000e+00 : f32
      %reduce_or3A_52 = arith.constant 0.000000e+00 : f32
      %reduce_or3A_53 = vector.broadcast %reduce_or3A : f32 to vector<16xf32>
      %reduce_or3A_54 = vector.broadcast %reduce_or3A_52 : f32 to vector<16xf32>
      %reduce_or3A_55 = arith.select %gt3A, %reduce_or3A_53, %reduce_or3A_54 : vector<16xi1>, vector<16xf32>
      %reduce_or3A_56 = arith.constant true
      %reduce_or3A_57 = vector.broadcast %reduce_or3A_56 : i1 to vector<16xi1>
      %reduce_or3A_58 = tpu.scan <max>, %reduce_or3A_55 masked %reduce_or3A_57 : vector<16xf32>, vector<16xi1> -> vector<16xf32>
      %reduce_or3A_59 = vector.extract %reduce_or3A_58[15] : f32 from vector<16xf32>
      %reduce_or3A_60 = arith.constant 0.000000e+00 : f32
      %reduce_or3A_61 = arith.cmpf ogt, %reduce_or3A_59, %reduce_or3A_60 : f32
      %convert_element_type3A = arith.extui %reduce_or3A_61 : i1 to i32
      %cond3A = arith.constant 0 : i32
      %cond3A_62 = arith.cmpi ne, %convert_element_type3A, %cond3A : i32
      %cond3A_63:3 = scf.if %cond3A_62 -> (vector<16xf32>, vector<16xf32>, vector<16xf32>) {
        %get3A_138 = arith.constant 0 : i32
        %get3A_139 = arith.index_cast %get3A_138 : i32 to index
        %get3A_140 = memref.load %arg9[%get3A_139] : memref<1xi32, #tpu.memory_space<smem>>
        %ge3A = arith.constant 4080 : i32
        %ge3A_141 = arith.cmpi sge, %get3A_140, %ge3A : i32
        %convert_element_type3A_142 = arith.extui %ge3A_141 : i1 to i32
        %cond3A_143 = arith.constant 0 : i32
        %cond3A_144 = arith.cmpi ne, %convert_element_type3A_142, %cond3A_143 : i32
        scf.if %cond3A_144 {
          %get3A_184 = arith.constant 0 : i32
          %get3A_185 = arith.index_cast %get3A_184 : i32 to index
          %get3A_186 = memref.load %arg9[%get3A_185] : memref<1xi32, #tpu.memory_space<smem>>
          %jit3A_187 = arith.constant 16 : i32
          %div3A_188 = arith.divsi %get3A_186, %jit3A_187 : i32
          %sign3A_189 = arith.constant 0 : i32
          %sign3A_190 = arith.cmpi sgt, %get3A_186, %sign3A_189 : i32
          %sign3A_191 = arith.extui %sign3A_190 : i1 to i32
          %sign3A_192 = arith.constant 0 : i32
          %sign3A_193 = arith.cmpi slt, %get3A_186, %sign3A_192 : i32
          %sign3A_194 = arith.extui %sign3A_193 : i1 to i32
          %sign3A_195 = arith.subi %sign3A_191, %sign3A_194 : i32
          %sign3A_196 = arith.constant 0 : i32
          %sign3A_197 = arith.cmpi sgt, %jit3A_187, %sign3A_196 : i32
          %sign3A_198 = arith.extui %sign3A_197 : i1 to i32
          %sign3A_199 = arith.constant 0 : i32
          %sign3A_200 = arith.cmpi slt, %jit3A_187, %sign3A_199 : i32
          %sign3A_201 = arith.extui %sign3A_200 : i1 to i32
          %sign3A_202 = arith.subi %sign3A_198, %sign3A_201 : i32
          %ne3A_203 = arith.cmpi ne, %sign3A_195, %sign3A_202 : i32
          %rem3A_204 = arith.remsi %get3A_186, %jit3A_187 : i32
          %ne3A_205 = arith.constant 0 : i32
          %ne3A_206 = arith.cmpi ne, %rem3A_204, %ne3A_205 : i32
          %and3A_207 = arith.andi %ne3A_203, %ne3A_206 : i1
          %sub3A_208 = arith.constant 1 : i32
          %sub3A_209 = arith.subi %div3A_188, %sub3A_208 : i32
          %select_n3A_210 = arith.select %and3A_207, %sub3A_209, %div3A_188 : i32
          %while3A_211 = arith.constant 0 : i32
          %while3A_212 = arith.constant 0 : i32
          %while3A_213 = arith.subi %select_n3A_210, %while3A_211 : i32
          %while3A_214 = arith.addi %while3A_211, %while3A_213 : i32
          %while3A_215 = arith.constant 1 : i32
          %while3A_216 = arith.divsi %while3A_213, %while3A_215 : i32
          %while3A_217 = arith.muli %while3A_216, %while3A_215 : i32
          %while3A_218 = arith.addi %while3A_211, %while3A_217 : i32
          %while3A_219 = arith.constant 1 : i32
          %while3A_220 = scf.for %while3A_226 = %while3A_211 to %while3A_218 step %while3A_219 iter_args(%while3A_227 = %while3A_212) -> (i32)  : i32 {
            %mul3A_228 = arith.constant 16 : i32
            %mul3A_229 = arith.muli %while3A_226, %mul3A_228 : i32
            %get3A_230 = arith.index_cast %mul3A_229 : i32 to index
            %get3A_231 = tpu.vector_load %arg6[%get3A_230] {strides = array<i32>} : memref<4096xf32, #tpu.memory_space<vmem>>, vector<16xf32>,
            %ge3A_232 = arith.cmpf oge, %get3A_231, %broadcast_in_dim3A_35 : vector<16xf32>
            %reduce_or3A_233 = arith.constant 1.000000e+00 : f32
            %reduce_or3A_234 = arith.constant 0.000000e+00 : f32
            %reduce_or3A_235 = vector.broadcast %reduce_or3A_233 : f32 to vector<16xf32>
            %reduce_or3A_236 = vector.broadcast %reduce_or3A_234 : f32 to vector<16xf32>
            %reduce_or3A_237 = arith.select %ge3A_232, %reduce_or3A_235, %reduce_or3A_236 : vector<16xi1>, vector<16xf32>
            %reduce_or3A_238 = arith.constant true
            %reduce_or3A_239 = vector.broadcast %reduce_or3A_238 : i1 to vector<16xi1>
            %reduce_or3A_240 = tpu.scan <max>, %reduce_or3A_237 masked %reduce_or3A_239 : vector<16xf32>, vector<16xi1> -> vector<16xf32>
            %reduce_or3A_241 = vector.extract %reduce_or3A_240[15] : f32 from vector<16xf32>
            %reduce_or3A_242 = arith.constant 0.000000e+00 : f32
            %reduce_or3A_243 = arith.cmpf ogt, %reduce_or3A_241, %reduce_or3A_242 : f32
            %convert_element_type3A_244 = arith.extui %reduce_or3A_243 : i1 to i32
            %cond3A_245 = arith.constant 0 : i32
            %cond3A_246 = arith.cmpi ne, %convert_element_type3A_244, %cond3A_245 : i32
            scf.if %cond3A_246 {
              %swap3A_251 = arith.index_cast %while3A_227 : i32 to index
              %swap3A_252 = tpu.vector_load %arg6[%swap3A_251] {strides = array<i32>} : memref<4096xf32, #tpu.memory_space<vmem>>, vector<16xf32>,
              tpu.vector_store %arg6[%swap3A_251], %get3A_231 {strides = array<i32>} : memref<4096xf32, #tpu.memory_space<vmem>>, vector<16xf32>,
              %mul3A_253 = arith.constant 16 : i32
              %mul3A_254 = arith.muli %while3A_226, %mul3A_253 : i32
              %get3A_255 = arith.index_cast %mul3A_254 : i32 to index
              %get3A_256 = tpu.vector_load %arg7[%get3A_255] {strides = array<i32>} : memref<4096xi32, #tpu.memory_space<vmem>>, vector<16xi32>,
              %swap3A_257 = arith.index_cast %while3A_227 : i32 to index
              %swap3A_258 = tpu.vector_load %arg7[%swap3A_257] {strides = array<i32>} : memref<4096xi32, #tpu.memory_space<vmem>>, vector<16xi32>,
              tpu.vector_store %arg7[%swap3A_257], %get3A_256 {strides = array<i32>} : memref<4096xi32, #tpu.memory_space<vmem>>, vector<16xi32>,
            } else {
            }
            %jit3A_247 = arith.constant 16 : i32
            %jit3A_248 = arith.constant 0 : i32
            %select_n3A_249 = arith.select %reduce_or3A_243, %jit3A_247, %jit3A_248 : i32
            %add3A_250 = arith.addi %while3A_227, %select_n3A_249 : i32
            scf.yield %add3A_250 : i32
          }
          %while3A_221 = arith.constant 1 : i32
          %while3A_222 = scf.for %while3A_226 = %while3A_218 to %while3A_214 step %while3A_221 iter_args(%while3A_227 = %while3A_220) -> (i32)  : i32 {
            %mul3A_228 = arith.constant 16 : i32
            %mul3A_229 = arith.muli %while3A_226, %mul3A_228 : i32
            %get3A_230 = arith.index_cast %mul3A_229 : i32 to index
            %get3A_231 = tpu.vector_load %arg6[%get3A_230] {strides = array<i32>} : memref<4096xf32, #tpu.memory_space<vmem>>, vector<16xf32>,
            %ge3A_232 = arith.cmpf oge, %get3A_231, %broadcast_in_dim3A_35 : vector<16xf32>
            %reduce_or3A_233 = arith.constant 1.000000e+00 : f32
            %reduce_or3A_234 = arith.constant 0.000000e+00 : f32
            %reduce_or3A_235 = vector.broadcast %reduce_or3A_233 : f32 to vector<16xf32>
            %reduce_or3A_236 = vector.broadcast %reduce_or3A_234 : f32 to vector<16xf32>
            %reduce_or3A_237 = arith.select %ge3A_232, %reduce_or3A_235, %reduce_or3A_236 : vector<16xi1>, vector<16xf32>
            %reduce_or3A_238 = arith.constant true
            %reduce_or3A_239 = vector.broadcast %reduce_or3A_238 : i1 to vector<16xi1>
            %reduce_or3A_240 = tpu.scan <max>, %reduce_or3A_237 masked %reduce_or3A_239 : vector<16xf32>, vector<16xi1> -> vector<16xf32>
            %reduce_or3A_241 = vector.extract %reduce_or3A_240[15] : f32 from vector<16xf32>
            %reduce_or3A_242 = arith.constant 0.000000e+00 : f32
            %reduce_or3A_243 = arith.cmpf ogt, %reduce_or3A_241, %reduce_or3A_242 : f32
            %convert_element_type3A_244 = arith.extui %reduce_or3A_243 : i1 to i32
            %cond3A_245 = arith.constant 0 : i32
            %cond3A_246 = arith.cmpi ne, %convert_element_type3A_244, %cond3A_245 : i32
            scf.if %cond3A_246 {
              %swap3A_251 = arith.index_cast %while3A_227 : i32 to index
              %swap3A_252 = tpu.vector_load %arg6[%swap3A_251] {strides = array<i32>} : memref<4096xf32, #tpu.memory_space<vmem>>, vector<16xf32>,
              tpu.vector_store %arg6[%swap3A_251], %get3A_231 {strides = array<i32>} : memref<4096xf32, #tpu.memory_space<vmem>>, vector<16xf32>,
              %mul3A_253 = arith.constant 16 : i32
              %mul3A_254 = arith.muli %while3A_226, %mul3A_253 : i32
              %get3A_255 = arith.index_cast %mul3A_254 : i32 to index
              %get3A_256 = tpu.vector_load %arg7[%get3A_255] {strides = array<i32>} : memref<4096xi32, #tpu.memory_space<vmem>>, vector<16xi32>,
              %swap3A_257 = arith.index_cast %while3A_227 : i32 to index
              %swap3A_258 = tpu.vector_load %arg7[%swap3A_257] {strides = array<i32>} : memref<4096xi32, #tpu.memory_space<vmem>>, vector<16xi32>,
              tpu.vector_store %arg7[%swap3A_257], %get3A_256 {strides = array<i32>} : memref<4096xi32, #tpu.memory_space<vmem>>, vector<16xi32>,
            } else {
            }
            %jit3A_247 = arith.constant 16 : i32
            %jit3A_248 = arith.constant 0 : i32
            %select_n3A_249 = arith.select %reduce_or3A_243, %jit3A_247, %jit3A_248 : i32
            %add3A_250 = arith.addi %while3A_227, %select_n3A_249 : i32
            scf.yield %add3A_250 : i32
          }
          %swap3A_223 = arith.constant 0 : i32
          %swap3A_224 = arith.index_cast %swap3A_223 : i32 to index
          %swap3A_225 = memref.load %arg9[%swap3A_224] : memref<1xi32, #tpu.memory_space<smem>>
          memref.store %while3A_222, %arg9[%swap3A_224] : memref<1xi32, #tpu.memory_space<smem>>
        } else {
        }
        %get3A_145 = arith.constant 0 : i32
        %get3A_146 = arith.index_cast %get3A_145 : i32 to index
        %get3A_147 = memref.load %arg9[%get3A_146] : memref<1xi32, #tpu.memory_space<smem>>
        %swap3A_148 = arith.index_cast %get3A_147 : i32 to index
        %swap3A_149 = tpu.vector_load %arg6[%swap3A_148] {strides = array<i32>} : memref<4096xf32, #tpu.memory_space<vmem>>, vector<16xf32>,
        tpu.vector_store %arg6[%swap3A_148], %get3A_51 {strides = array<i32>} : memref<4096xf32, #tpu.memory_space<vmem>>, vector<16xf32>,
        %add3A_150 = arith.constant 32 : i32
        %add3A_151 = vector.broadcast %add3A_150 : i32 to vector<16xi32>
        %add3A_152 = arith.addi %iota3A, %add3A_151 : vector<16xi32>
        %swap3A_153 = arith.index_cast %get3A_147 : i32 to index
        %swap3A_154 = tpu.vector_load %arg7[%swap3A_153] {strides = array<i32>} : memref<4096xi32, #tpu.memory_space<vmem>>, vector<16xi32>,
        tpu.vector_store %arg7[%swap3A_153], %add3A_152 {strides = array<i32>} : memref<4096xi32, #tpu.memory_space<vmem>>, vector<16xi32>,
        %add3A_155 = arith.constant 16 : i32
        %add3A_156 = arith.addi %get3A_147, %add3A_155 : i32
        %swap3A_157 = arith.constant 0 : i32
        %swap3A_158 = arith.index_cast %swap3A_157 : i32 to index
        %swap3A_159 = memref.load %arg9[%swap3A_158] : memref<1xi32, #tpu.memory_space<smem>>
        memref.store %add3A_156, %arg9[%swap3A_158] : memref<1xi32, #tpu.memory_space<smem>>
        %masked_sort3A_160 = arith.constant dense<true> : vector<16xi1>
        %masked_sort3A_161, %masked_sort3A_162, %masked_sort3A_163 = tpu.sort %min3A, %min3A masked %masked_sort3A_160 : (vector<16xf32>, vector<16xf32>, vector<16xi1>) -> (vector<16xi1>, vector<16xf32>, vector<16xf32>)
        %masked_sort3A_164 = arith.constant dense<true> : vector<16xi1>
        %masked_sort3A_165, %masked_sort3A_166, %masked_sort3A_167 = tpu.sort %get3A_51, %get3A_51 masked %masked_sort3A_164 {descending = true} : (vector<16xf32>, vector<16xf32>, vector<16xi1>) -> (vector<16xi1>, vector<16xf32>, vector<16xf32>)
        %max3A_168 = arith.maximumf %masked_sort3A_162, %masked_sort3A_166 : vector<16xf32>
        %masked_sort3A_169 = arith.constant dense<true> : vector<16xi1>
        %masked_sort3A_170, %masked_sort3A_171, %masked_sort3A_172 = tpu.sort %max3A, %max3A masked %masked_sort3A_169 : (vector<16xf32>, vector<16xf32>, vector<16xi1>) -> (vector<16xi1>, vector<16xf32>, vector<16xf32>)
        %masked_sort3A_173 = arith.constant dense<true> : vector<16xi1>
        %masked_sort3A_174, %masked_sort3A_175, %masked_sort3A_176 = tpu.sort %max3A_168, %max3A_168 masked %masked_sort3A_173 {descending = true} : (vector<16xf32>, vector<16xf32>, vector<16xi1>) -> (vector<16xi1>, vector<16xf32>, vector<16xf32>)
        %max3A_177 = arith.maximumf %masked_sort3A_171, %masked_sort3A_175 : vector<16xf32>
        %min3A_178 = arith.minimumf %masked_sort3A_171, %masked_sort3A_175 : vector<16xf32>
        %reduce_min3A_179 = arith.constant true
        %reduce_min3A_180 = vector.broadcast %reduce_min3A_179 : i1 to vector<16xi1>
        %reduce_min3A_181 = tpu.scan <min>, %min3A_178 masked %reduce_min3A_180 : vector<16xf32>, vector<16xi1> -> vector<16xf32>
        %reduce_min3A_182 = vector.extract %reduce_min3A_181[15] : f32 from vector<16xf32>
        %broadcast_in_dim3A_183 = vector.broadcast %reduce_min3A_182 : f32 to vector<16xf32>
        scf.yield %max3A_177, %min3A_178, %broadcast_in_dim3A_183 : vector<16xf32>, vector<16xf32>, vector<16xf32>
      } else {
        scf.yield %max3A, %min3A, %broadcast_in_dim3A_35 : vector<16xf32>, vector<16xf32>, vector<16xf32>
      }
      %get3A_64 = arith.constant 48 : index
      %get3A_65 = tpu.vector_load %arg4[%get3A_64] {strides = array<i32>} : memref<32768xf32, #tpu.memory_space<vmem>>, vector<16xf32>,
      %gt3A_66 = arith.cmpf ogt, %get3A_65, %cond3A_63#2 : vector<16xf32>
      %reduce_or3A_67 = arith.constant 1.000000e+00 : f32
      %reduce_or3A_68 = arith.constant 0.000000e+00 : f32
      %reduce_or3A_69 = vector.broadcast %reduce_or3A_67 : f32 to vector<16xf32>
      %reduce_or3A_70 = vector.broadcast %reduce_or3A_68 : f32 to vector<16xf32>
      %reduce_or3A_71 = arith.select %gt3A_66, %reduce_or3A_69, %reduce_or3A_70 : vector<16xi1>, vector<16xf32>
      %reduce_or3A_72 = arith.constant true
      %reduce_or3A_73 = vector.broadcast %reduce_or3A_72 : i1 to vector<16xi1>
      %reduce_or3A_74 = tpu.scan <max>, %reduce_or3A_71 masked %reduce_or3A_73 : vector<16xf32>, vector<16xi1> -> vector<16xf32>
      %reduce_or3A_75 = vector.extract %reduce_or3A_74[15] : f32 from vector<16xf32>
      %reduce_or3A_76 = arith.constant 0.000000e+00 : f32
      %reduce_or3A_77 = arith.cmpf ogt, %reduce_or3A_75, %reduce_or3A_76 : f32
      %convert_element_type3A_78 = arith.extui %reduce_or3A_77 : i1 to i32
      %cond3A_79 = arith.constant 0 : i32
      %cond3A_80 = arith.cmpi ne, %convert_element_type3A_78, %cond3A_79 : i32
      %cond3A_81:3 = scf.if %cond3A_80 -> (vector<16xf32>, vector<16xf32>, vector<16xf32>) {
        %get3A_138 = arith.constant 0 : i32
        %get3A_139 = arith.index_cast %get3A_138 : i32 to index
        %get3A_140 = memref.load %arg9[%get3A_139] : memref<1xi32, #tpu.memory_space<smem>>
        %ge3A = arith.constant 4080 : i32
        %ge3A_141 = arith.cmpi sge, %get3A_140, %ge3A : i32
        %convert_element_type3A_142 = arith.extui %ge3A_141 : i1 to i32
        %cond3A_143 = arith.constant 0 : i32
        %cond3A_144 = arith.cmpi ne, %convert_element_type3A_142, %cond3A_143 : i32
        scf.if %cond3A_144 {
          %get3A_184 = arith.constant 0 : i32
          %get3A_185 = arith.index_cast %get3A_184 : i32 to index
          %get3A_186 = memref.load %arg9[%get3A_185] : memref<1xi32, #tpu.memory_space<smem>>
          %jit3A_187 = arith.constant 16 : i32
          %div3A_188 = arith.divsi %get3A_186, %jit3A_187 : i32
          %sign3A_189 = arith.constant 0 : i32
          %sign3A_190 = arith.cmpi sgt, %get3A_186, %sign3A_189 : i32
          %sign3A_191 = arith.extui %sign3A_190 : i1 to i32
          %sign3A_192 = arith.constant 0 : i32
          %sign3A_193 = arith.cmpi slt, %get3A_186, %sign3A_192 : i32
          %sign3A_194 = arith.extui %sign3A_193 : i1 to i32
          %sign3A_195 = arith.subi %sign3A_191, %sign3A_194 : i32
          %sign3A_196 = arith.constant 0 : i32
          %sign3A_197 = arith.cmpi sgt, %jit3A_187, %sign3A_196 : i32
          %sign3A_198 = arith.extui %sign3A_197 : i1 to i32
          %sign3A_199 = arith.constant 0 : i32
          %sign3A_200 = arith.cmpi slt, %jit3A_187, %sign3A_199 : i32
          %sign3A_201 = arith.extui %sign3A_200 : i1 to i32
          %sign3A_202 = arith.subi %sign3A_198, %sign3A_201 : i32
          %ne3A_203 = arith.cmpi ne, %sign3A_195, %sign3A_202 : i32
          %rem3A_204 = arith.remsi %get3A_186, %jit3A_187 : i32
          %ne3A_205 = arith.constant 0 : i32
          %ne3A_206 = arith.cmpi ne, %rem3A_204, %ne3A_205 : i32
          %and3A_207 = arith.andi %ne3A_203, %ne3A_206 : i1
          %sub3A_208 = arith.constant 1 : i32
          %sub3A_209 = arith.subi %div3A_188, %sub3A_208 : i32
          %select_n3A_210 = arith.select %and3A_207, %sub3A_209, %div3A_188 : i32
          %while3A_211 = arith.constant 0 : i32
          %while3A_212 = arith.constant 0 : i32
          %while3A_213 = arith.subi %select_n3A_210, %while3A_211 : i32
          %while3A_214 = arith.addi %while3A_211, %while3A_213 : i32
          %while3A_215 = arith.constant 1 : i32
          %while3A_216 = arith.divsi %while3A_213, %while3A_215 : i32
          %while3A_217 = arith.muli %while3A_216, %while3A_215 : i32
          %while3A_218 = arith.addi %while3A_211, %while3A_217 : i32
          %while3A_219 = arith.constant 1 : i32
          %while3A_220 = scf.for %while3A_226 = %while3A_211 to %while3A_218 step %while3A_219 iter_args(%while3A_227 = %while3A_212) -> (i32)  : i32 {
            %mul3A_228 = arith.constant 16 : i32
            %mul3A_229 = arith.muli %while3A_226, %mul3A_228 : i32
            %get3A_230 = arith.index_cast %mul3A_229 : i32 to index
            %get3A_231 = tpu.vector_load %arg6[%get3A_230] {strides = array<i32>} : memref<4096xf32, #tpu.memory_space<vmem>>, vector<16xf32>,
            %ge3A_232 = arith.cmpf oge, %get3A_231, %cond3A_63#2 : vector<16xf32>
            %reduce_or3A_233 = arith.constant 1.000000e+00 : f32
            %reduce_or3A_234 = arith.constant 0.000000e+00 : f32
            %reduce_or3A_235 = vector.broadcast %reduce_or3A_233 : f32 to vector<16xf32>
            %reduce_or3A_236 = vector.broadcast %reduce_or3A_234 : f32 to vector<16xf32>
            %reduce_or3A_237 = arith.select %ge3A_232, %reduce_or3A_235, %reduce_or3A_236 : vector<16xi1>, vector<16xf32>
            %reduce_or3A_238 = arith.constant true
            %reduce_or3A_239 = vector.broadcast %reduce_or3A_238 : i1 to vector<16xi1>
            %reduce_or3A_240 = tpu.scan <max>, %reduce_or3A_237 masked %reduce_or3A_239 : vector<16xf32>, vector<16xi1> -> vector<16xf32>
            %reduce_or3A_241 = vector.extract %reduce_or3A_240[15] : f32 from vector<16xf32>
            %reduce_or3A_242 = arith.constant 0.000000e+00 : f32
            %reduce_or3A_243 = arith.cmpf ogt, %reduce_or3A_241, %reduce_or3A_242 : f32
            %convert_element_type3A_244 = arith.extui %reduce_or3A_243 : i1 to i32
            %cond3A_245 = arith.constant 0 : i32
            %cond3A_246 = arith.cmpi ne, %convert_element_type3A_244, %cond3A_245 : i32
            scf.if %cond3A_246 {
              %swap3A_251 = arith.index_cast %while3A_227 : i32 to index
              %swap3A_252 = tpu.vector_load %arg6[%swap3A_251] {strides = array<i32>} : memref<4096xf32, #tpu.memory_space<vmem>>, vector<16xf32>,
              tpu.vector_store %arg6[%swap3A_251], %get3A_231 {strides = array<i32>} : memref<4096xf32, #tpu.memory_space<vmem>>, vector<16xf32>,
              %mul3A_253 = arith.constant 16 : i32
              %mul3A_254 = arith.muli %while3A_226, %mul3A_253 : i32
              %get3A_255 = arith.index_cast %mul3A_254 : i32 to index
              %get3A_256 = tpu.vector_load %arg7[%get3A_255] {strides = array<i32>} : memref<4096xi32, #tpu.memory_space<vmem>>, vector<16xi32>,
              %swap3A_257 = arith.index_cast %while3A_227 : i32 to index
              %swap3A_258 = tpu.vector_load %arg7[%swap3A_257] {strides = array<i32>} : memref<4096xi32, #tpu.memory_space<vmem>>, vector<16xi32>,
              tpu.vector_store %arg7[%swap3A_257], %get3A_256 {strides = array<i32>} : memref<4096xi32, #tpu.memory_space<vmem>>, vector<16xi32>,
            } else {
            }
            %jit3A_247 = arith.constant 16 : i32
            %jit3A_248 = arith.constant 0 : i32
            %select_n3A_249 = arith.select %reduce_or3A_243, %jit3A_247, %jit3A_248 : i32
            %add3A_250 = arith.addi %while3A_227, %select_n3A_249 : i32
            scf.yield %add3A_250 : i32
          }
          %while3A_221 = arith.constant 1 : i32
          %while3A_222 = scf.for %while3A_226 = %while3A_218 to %while3A_214 step %while3A_221 iter_args(%while3A_227 = %while3A_220) -> (i32)  : i32 {
            %mul3A_228 = arith.constant 16 : i32
            %mul3A_229 = arith.muli %while3A_226, %mul3A_228 : i32
            %get3A_230 = arith.index_cast %mul3A_229 : i32 to index
            %get3A_231 = tpu.vector_load %arg6[%get3A_230] {strides = array<i32>} : memref<4096xf32, #tpu.memory_space<vmem>>, vector<16xf32>,
            %ge3A_232 = arith.cmpf oge, %get3A_231, %cond3A_63#2 : vector<16xf32>
            %reduce_or3A_233 = arith.constant 1.000000e+00 : f32
            %reduce_or3A_234 = arith.constant 0.000000e+00 : f32
            %reduce_or3A_235 = vector.broadcast %reduce_or3A_233 : f32 to vector<16xf32>
            %reduce_or3A_236 = vector.broadcast %reduce_or3A_234 : f32 to vector<16xf32>
            %reduce_or3A_237 = arith.select %ge3A_232, %reduce_or3A_235, %reduce_or3A_236 : vector<16xi1>, vector<16xf32>
            %reduce_or3A_238 = arith.constant true
            %reduce_or3A_239 = vector.broadcast %reduce_or3A_238 : i1 to vector<16xi1>
            %reduce_or3A_240 = tpu.scan <max>, %reduce_or3A_237 masked %reduce_or3A_239 : vector<16xf32>, vector<16xi1> -> vector<16xf32>
            %reduce_or3A_241 = vector.extract %reduce_or3A_240[15] : f32 from vector<16xf32>
            %reduce_or3A_242 = arith.constant 0.000000e+00 : f32
            %reduce_or3A_243 = arith.cmpf ogt, %reduce_or3A_241, %reduce_or3A_242 : f32
            %convert_element_type3A_244 = arith.extui %reduce_or3A_243 : i1 to i32
            %cond3A_245 = arith.constant 0 : i32
            %cond3A_246 = arith.cmpi ne, %convert_element_type3A_244, %cond3A_245 : i32
            scf.if %cond3A_246 {
              %swap3A_251 = arith.index_cast %while3A_227 : i32 to index
              %swap3A_252 = tpu.vector_load %arg6[%swap3A_251] {strides = array<i32>} : memref<4096xf32, #tpu.memory_space<vmem>>, vector<16xf32>,
              tpu.vector_store %arg6[%swap3A_251], %get3A_231 {strides = array<i32>} : memref<4096xf32, #tpu.memory_space<vmem>>, vector<16xf32>,
              %mul3A_253 = arith.constant 16 : i32
              %mul3A_254 = arith.muli %while3A_226, %mul3A_253 : i32
              %get3A_255 = arith.index_cast %mul3A_254 : i32 to index
              %get3A_256 = tpu.vector_load %arg7[%get3A_255] {strides = array<i32>} : memref<4096xi32, #tpu.memory_space<vmem>>, vector<16xi32>,
              %swap3A_257 = arith.index_cast %while3A_227 : i32 to index
              %swap3A_258 = tpu.vector_load %arg7[%swap3A_257] {strides = array<i32>} : memref<4096xi32, #tpu.memory_space<vmem>>, vector<16xi32>,
              tpu.vector_store %arg7[%swap3A_257], %get3A_256 {strides = array<i32>} : memref<4096xi32, #tpu.memory_space<vmem>>, vector<16xi32>,
            } else {
            }
            %jit3A_247 = arith.constant 16 : i32
            %jit3A_248 = arith.constant 0 : i32
            %select_n3A_249 = arith.select %reduce_or3A_243, %jit3A_247, %jit3A_248 : i32
            %add3A_250 = arith.addi %while3A_227, %select_n3A_249 : i32
            scf.yield %add3A_250 : i32
          }
          %swap3A_223 = arith.constant 0 : i32
          %swap3A_224 = arith.index_cast %swap3A_223 : i32 to index
          %swap3A_225 = memref.load %arg9[%swap3A_224] : memref<1xi32, #tpu.memory_space<smem>>
          memref.store %while3A_222, %arg9[%swap3A_224] : memref<1xi32, #tpu.memory_space<smem>>
        } else {
        }
        %get3A_145 = arith.constant 0 : i32
        %get3A_146 = arith.index_cast %get3A_145 : i32 to index
        %get3A_147 = memref.load %arg9[%get3A_146] : memref<1xi32, #tpu.memory_space<smem>>
        %swap3A_148 = arith.index_cast %get3A_147 : i32 to index
        %swap3A_149 = tpu.vector_load %arg6[%swap3A_148] {strides = array<i32>} : memref<4096xf32, #tpu.memory_space<vmem>>, vector<16xf32>,
        tpu.vector_store %arg6[%swap3A_148], %get3A_65 {strides = array<i32>} : memref<4096xf32, #tpu.memory_space<vmem>>, vector<16xf32>,
        %add3A_150 = arith.constant 48 : i32
        %add3A_151 = vector.broadcast %add3A_150 : i32 to vector<16xi32>
        %add3A_152 = arith.addi %iota3A, %add3A_151 : vector<16xi32>
        %swap3A_153 = arith.index_cast %get3A_147 : i32 to index
        %swap3A_154 = tpu.vector_load %arg7[%swap3A_153] {strides = array<i32>} : memref<4096xi32, #tpu.memory_space<vmem>>, vector<16xi32>,
        tpu.vector_store %arg7[%swap3A_153], %add3A_152 {strides = array<i32>} : memref<4096xi32, #tpu.memory_space<vmem>>, vector<16xi32>,
        %add3A_155 = arith.constant 16 : i32
        %add3A_156 = arith.addi %get3A_147, %add3A_155 : i32
        %swap3A_157 = arith.constant 0 : i32
        %swap3A_158 = arith.index_cast %swap3A_157 : i32 to index
        %swap3A_159 = memref.load %arg9[%swap3A_158] : memref<1xi32, #tpu.memory_space<smem>>
        memref.store %add3A_156, %arg9[%swap3A_158] : memref<1xi32, #tpu.memory_space<smem>>
        %masked_sort3A_160 = arith.constant dense<true> : vector<16xi1>
        %masked_sort3A_161, %masked_sort3A_162, %masked_sort3A_163 = tpu.sort %cond3A_63#1, %cond3A_63#1 masked %masked_sort3A_160 : (vector<16xf32>, vector<16xf32>, vector<16xi1>) -> (vector<16xi1>, vector<16xf32>, vector<16xf32>)
        %masked_sort3A_164 = arith.constant dense<true> : vector<16xi1>
        %masked_sort3A_165, %masked_sort3A_166, %masked_sort3A_167 = tpu.sort %get3A_65, %get3A_65 masked %masked_sort3A_164 {descending = true} : (vector<16xf32>, vector<16xf32>, vector<16xi1>) -> (vector<16xi1>, vector<16xf32>, vector<16xf32>)
        %max3A_168 = arith.maximumf %masked_sort3A_162, %masked_sort3A_166 : vector<16xf32>
        %masked_sort3A_169 = arith.constant dense<true> : vector<16xi1>
        %masked_sort3A_170, %masked_sort3A_171, %masked_sort3A_172 = tpu.sort %cond3A_63#0, %cond3A_63#0 masked %masked_sort3A_169 : (vector<16xf32>, vector<16xf32>, vector<16xi1>) -> (vector<16xi1>, vector<16xf32>, vector<16xf32>)
        %masked_sort3A_173 = arith.constant dense<true> : vector<16xi1>
        %masked_sort3A_174, %masked_sort3A_175, %masked_sort3A_176 = tpu.sort %max3A_168, %max3A_168 masked %masked_sort3A_173 {descending = true} : (vector<16xf32>, vector<16xf32>, vector<16xi1>) -> (vector<16xi1>, vector<16xf32>, vector<16xf32>)
        %max3A_177 = arith.maximumf %masked_sort3A_171, %masked_sort3A_175 : vector<16xf32>
        %min3A_178 = arith.minimumf %masked_sort3A_171, %masked_sort3A_175 : vector<16xf32>
        %reduce_min3A_179 = arith.constant true
        %reduce_min3A_180 = vector.broadcast %reduce_min3A_179 : i1 to vector<16xi1>
        %reduce_min3A_181 = tpu.scan <min>, %min3A_178 masked %reduce_min3A_180 : vector<16xf32>, vector<16xi1> -> vector<16xf32>
        %reduce_min3A_182 = vector.extract %reduce_min3A_181[15] : f32 from vector<16xf32>
        %broadcast_in_dim3A_183 = vector.broadcast %reduce_min3A_182 : f32 to vector<16xf32>
        scf.yield %max3A_177, %min3A_178, %broadcast_in_dim3A_183 : vector<16xf32>, vector<16xf32>, vector<16xf32>
      } else {
        scf.yield %cond3A_63#0, %cond3A_63#1, %cond3A_63#2 : vector<16xf32>, vector<16xf32>, vector<16xf32>
      }
      %scan3A_82 = arith.constant 1 : i32
      %scan3A_83 = arith.constant 511 : i32
      %scan3A_84 = arith.addi %scan3A_82, %scan3A_83 : i32
      %scan3A_85 = arith.constant 1 : i32
      %scan3A_86:3 = scf.for %scan3A_138 = %scan3A_82 to %scan3A_84 step %scan3A_85 iter_args(%scan3A_139 = %cond3A_81#0, %scan3A_140 = %cond3A_81#1, %scan3A_141 = %cond3A_81#2) -> (vector<16xf32>, vector<16xf32>, vector<16xf32>)  : i32 {
        %mul3A_142 = arith.constant 4 : i32
        %mul3A_143 = arith.muli %scan3A_138, %mul3A_142 : i32
        %mul3A_144 = arith.constant 16 : i32
        %mul3A_145 = arith.muli %mul3A_143, %mul3A_144 : i32
        %get3A_146 = arith.index_cast %mul3A_145 : i32 to index
        %get3A_147 = tpu.vector_load %arg4[%get3A_146] {strides = array<i32>} : memref<32768xf32, #tpu.memory_space<vmem>>, vector<16xf32>,
        %add3A_148 = arith.constant 16 : i32
        %add3A_149 = arith.addi %mul3A_145, %add3A_148 : i32
        %get3A_150 = arith.index_cast %add3A_149 : i32 to index
        %get3A_151 = tpu.vector_load %arg4[%get3A_150] {strides = array<i32>} : memref<32768xf32, #tpu.memory_space<vmem>>, vector<16xf32>,
        %add3A_152 = arith.constant 32 : i32
        %add3A_153 = arith.addi %mul3A_145, %add3A_152 : i32
        %get3A_154 = arith.index_cast %add3A_153 : i32 to index
        %get3A_155 = tpu.vector_load %arg4[%get3A_154] {strides = array<i32>} : memref<32768xf32, #tpu.memory_space<vmem>>, vector<16xf32>,
        %add3A_156 = arith.constant 48 : i32
        %add3A_157 = arith.addi %mul3A_145, %add3A_156 : i32
        %get3A_158 = arith.index_cast %add3A_157 : i32 to index
        %get3A_159 = tpu.vector_load %arg4[%get3A_158] {strides = array<i32>} : memref<32768xf32, #tpu.memory_space<vmem>>, vector<16xf32>,
        %max3A_160 = arith.maximumf %get3A_147, %get3A_151 : vector<16xf32>
        %max3A_161 = arith.maximumf %get3A_155, %get3A_159 : vector<16xf32>
        %max3A_162 = arith.maximumf %max3A_160, %max3A_161 : vector<16xf32>
        %gt3A_163 = arith.cmpf ogt, %max3A_162, %scan3A_141 : vector<16xf32>
        %reduce_or3A_164 = arith.constant 1.000000e+00 : f32
        %reduce_or3A_165 = arith.constant 0.000000e+00 : f32
        %reduce_or3A_166 = vector.broadcast %reduce_or3A_164 : f32 to vector<16xf32>
        %reduce_or3A_167 = vector.broadcast %reduce_or3A_165 : f32 to vector<16xf32>
        %reduce_or3A_168 = arith.select %gt3A_163, %reduce_or3A_166, %reduce_or3A_167 : vector<16xi1>, vector<16xf32>
        %reduce_or3A_169 = arith.constant true
        %reduce_or3A_170 = vector.broadcast %reduce_or3A_169 : i1 to vector<16xi1>
        %reduce_or3A_171 = tpu.scan <max>, %reduce_or3A_168 masked %reduce_or3A_170 : vector<16xf32>, vector<16xi1> -> vector<16xf32>
        %reduce_or3A_172 = vector.extract %reduce_or3A_171[15] : f32 from vector<16xf32>
        %reduce_or3A_173 = arith.constant 0.000000e+00 : f32
        %reduce_or3A_174 = arith.cmpf ogt, %reduce_or3A_172, %reduce_or3A_173 : f32
        %convert_element_type3A_175 = arith.extui %reduce_or3A_174 : i1 to i32
        %cond3A_176 = arith.constant 0 : i32
        %cond3A_177 = arith.cmpi ne, %convert_element_type3A_175, %cond3A_176 : i32
        %cond3A_178:3 = scf.if %cond3A_177 -> (vector<16xf32>, vector<16xf32>, vector<16xf32>) {
          %gt3A_179 = arith.cmpf ogt, %get3A_147, %scan3A_141 : vector<16xf32>
          %reduce_or3A_180 = arith.constant 1.000000e+00 : f32
          %reduce_or3A_181 = arith.constant 0.000000e+00 : f32
          %reduce_or3A_182 = vector.broadcast %reduce_or3A_180 : f32 to vector<16xf32>
          %reduce_or3A_183 = vector.broadcast %reduce_or3A_181 : f32 to vector<16xf32>
          %reduce_or3A_184 = arith.select %gt3A_179, %reduce_or3A_182, %reduce_or3A_183 : vector<16xi1>, vector<16xf32>
          %reduce_or3A_185 = arith.constant true
          %reduce_or3A_186 = vector.broadcast %reduce_or3A_185 : i1 to vector<16xi1>
          %reduce_or3A_187 = tpu.scan <max>, %reduce_or3A_184 masked %reduce_or3A_186 : vector<16xf32>, vector<16xi1> -> vector<16xf32>
          %reduce_or3A_188 = vector.extract %reduce_or3A_187[15] : f32 from vector<16xf32>
          %reduce_or3A_189 = arith.constant 0.000000e+00 : f32
          %reduce_or3A_190 = arith.cmpf ogt, %reduce_or3A_188, %reduce_or3A_189 : f32
          %convert_element_type3A_191 = arith.extui %reduce_or3A_190 : i1 to i32
          %cond3A_192 = arith.constant 0 : i32
          %cond3A_193 = arith.cmpi ne, %convert_element_type3A_191, %cond3A_192 : i32
          %cond3A_194:3 = scf.if %cond3A_193 -> (vector<16xf32>, vector<16xf32>, vector<16xf32>) {
            %get3A_249 = arith.constant 0 : i32
            %get3A_250 = arith.index_cast %get3A_249 : i32 to index
            %get3A_251 = memref.load %arg9[%get3A_250] : memref<1xi32, #tpu.memory_space<smem>>
            %ge3A = arith.constant 4080 : i32
            %ge3A_252 = arith.cmpi sge, %get3A_251, %ge3A : i32
            %convert_element_type3A_253 = arith.extui %ge3A_252 : i1 to i32
            %cond3A_254 = arith.constant 0 : i32
            %cond3A_255 = arith.cmpi ne, %convert_element_type3A_253, %cond3A_254 : i32
            scf.if %cond3A_255 {
              %get3A_294 = arith.constant 0 : i32
              %get3A_295 = arith.index_cast %get3A_294 : i32 to index
              %get3A_296 = memref.load %arg9[%get3A_295] : memref<1xi32, #tpu.memory_space<smem>>
              %jit3A_297 = arith.constant 16 : i32
              %div3A_298 = arith.divsi %get3A_296, %jit3A_297 : i32
              %sign3A_299 = arith.constant 0 : i32
              %sign3A_300 = arith.cmpi sgt, %get3A_296, %sign3A_299 : i32
              %sign3A_301 = arith.extui %sign3A_300 : i1 to i32
              %sign3A_302 = arith.constant 0 : i32
              %sign3A_303 = arith.cmpi slt, %get3A_296, %sign3A_302 : i32
              %sign3A_304 = arith.extui %sign3A_303 : i1 to i32
              %sign3A_305 = arith.subi %sign3A_301, %sign3A_304 : i32
              %sign3A_306 = arith.constant 0 : i32
              %sign3A_307 = arith.cmpi sgt, %jit3A_297, %sign3A_306 : i32
              %sign3A_308 = arith.extui %sign3A_307 : i1 to i32
              %sign3A_309 = arith.constant 0 : i32
              %sign3A_310 = arith.cmpi slt, %jit3A_297, %sign3A_309 : i32
              %sign3A_311 = arith.extui %sign3A_310 : i1 to i32
              %sign3A_312 = arith.subi %sign3A_308, %sign3A_311 : i32
              %ne3A_313 = arith.cmpi ne, %sign3A_305, %sign3A_312 : i32
              %rem3A_314 = arith.remsi %get3A_296, %jit3A_297 : i32
              %ne3A_315 = arith.constant 0 : i32
              %ne3A_316 = arith.cmpi ne, %rem3A_314, %ne3A_315 : i32
              %and3A_317 = arith.andi %ne3A_313, %ne3A_316 : i1
              %sub3A_318 = arith.constant 1 : i32
              %sub3A_319 = arith.subi %div3A_298, %sub3A_318 : i32
              %select_n3A_320 = arith.select %and3A_317, %sub3A_319, %div3A_298 : i32
              %while3A_321 = arith.constant 0 : i32
              %while3A_322 = arith.constant 0 : i32
              %while3A_323 = arith.subi %select_n3A_320, %while3A_321 : i32
              %while3A_324 = arith.addi %while3A_321, %while3A_323 : i32
              %while3A_325 = arith.constant 1 : i32
              %while3A_326 = arith.divsi %while3A_323, %while3A_325 : i32
              %while3A_327 = arith.muli %while3A_326, %while3A_325 : i32
              %while3A_328 = arith.addi %while3A_321, %while3A_327 : i32
              %while3A_329 = arith.constant 1 : i32
              %while3A_330 = scf.for %while3A_336 = %while3A_321 to %while3A_328 step %while3A_329 iter_args(%while3A_337 = %while3A_322) -> (i32)  : i32 {
                %mul3A_338 = arith.constant 16 : i32
                %mul3A_339 = arith.muli %while3A_336, %mul3A_338 : i32
                %get3A_340 = arith.index_cast %mul3A_339 : i32 to index
                %get3A_341 = tpu.vector_load %arg6[%get3A_340] {strides = array<i32>} : memref<4096xf32, #tpu.memory_space<vmem>>, vector<16xf32>,
                %ge3A_342 = arith.cmpf oge, %get3A_341, %scan3A_141 : vector<16xf32>
                %reduce_or3A_343 = arith.constant 1.000000e+00 : f32
                %reduce_or3A_344 = arith.constant 0.000000e+00 : f32
                %reduce_or3A_345 = vector.broadcast %reduce_or3A_343 : f32 to vector<16xf32>
                %reduce_or3A_346 = vector.broadcast %reduce_or3A_344 : f32 to vector<16xf32>
                %reduce_or3A_347 = arith.select %ge3A_342, %reduce_or3A_345, %reduce_or3A_346 : vector<16xi1>, vector<16xf32>
                %reduce_or3A_348 = arith.constant true
                %reduce_or3A_349 = vector.broadcast %reduce_or3A_348 : i1 to vector<16xi1>
                %reduce_or3A_350 = tpu.scan <max>, %reduce_or3A_347 masked %reduce_or3A_349 : vector<16xf32>, vector<16xi1> -> vector<16xf32>
                %reduce_or3A_351 = vector.extract %reduce_or3A_350[15] : f32 from vector<16xf32>
                %reduce_or3A_352 = arith.constant 0.000000e+00 : f32
                %reduce_or3A_353 = arith.cmpf ogt, %reduce_or3A_351, %reduce_or3A_352 : f32
                %convert_element_type3A_354 = arith.extui %reduce_or3A_353 : i1 to i32
                %cond3A_355 = arith.constant 0 : i32
                %cond3A_356 = arith.cmpi ne, %convert_element_type3A_354, %cond3A_355 : i32
                scf.if %cond3A_356 {
                  %swap3A_361 = arith.index_cast %while3A_337 : i32 to index
                  %swap3A_362 = tpu.vector_load %arg6[%swap3A_361] {strides = array<i32>} : memref<4096xf32, #tpu.memory_space<vmem>>, vector<16xf32>,
                  tpu.vector_store %arg6[%swap3A_361], %get3A_341 {strides = array<i32>} : memref<4096xf32, #tpu.memory_space<vmem>>, vector<16xf32>,
                  %mul3A_363 = arith.constant 16 : i32
                  %mul3A_364 = arith.muli %while3A_336, %mul3A_363 : i32
                  %get3A_365 = arith.index_cast %mul3A_364 : i32 to index
                  %get3A_366 = tpu.vector_load %arg7[%get3A_365] {strides = array<i32>} : memref<4096xi32, #tpu.memory_space<vmem>>, vector<16xi32>,
                  %swap3A_367 = arith.index_cast %while3A_337 : i32 to index
                  %swap3A_368 = tpu.vector_load %arg7[%swap3A_367] {strides = array<i32>} : memref<4096xi32, #tpu.memory_space<vmem>>, vector<16xi32>,
                  tpu.vector_store %arg7[%swap3A_367], %get3A_366 {strides = array<i32>} : memref<4096xi32, #tpu.memory_space<vmem>>, vector<16xi32>,
                } else {
                }
                %jit3A_357 = arith.constant 16 : i32
                %jit3A_358 = arith.constant 0 : i32
                %select_n3A_359 = arith.select %reduce_or3A_353, %jit3A_357, %jit3A_358 : i32
                %add3A_360 = arith.addi %while3A_337, %select_n3A_359 : i32
                scf.yield %add3A_360 : i32
              }
              %while3A_331 = arith.constant 1 : i32
              %while3A_332 = scf.for %while3A_336 = %while3A_328 to %while3A_324 step %while3A_331 iter_args(%while3A_337 = %while3A_330) -> (i32)  : i32 {
                %mul3A_338 = arith.constant 16 : i32
                %mul3A_339 = arith.muli %while3A_336, %mul3A_338 : i32
                %get3A_340 = arith.index_cast %mul3A_339 : i32 to index
                %get3A_341 = tpu.vector_load %arg6[%get3A_340] {strides = array<i32>} : memref<4096xf32, #tpu.memory_space<vmem>>, vector<16xf32>,
                %ge3A_342 = arith.cmpf oge, %get3A_341, %scan3A_141 : vector<16xf32>
                %reduce_or3A_343 = arith.constant 1.000000e+00 : f32
                %reduce_or3A_344 = arith.constant 0.000000e+00 : f32
                %reduce_or3A_345 = vector.broadcast %reduce_or3A_343 : f32 to vector<16xf32>
                %reduce_or3A_346 = vector.broadcast %reduce_or3A_344 : f32 to vector<16xf32>
                %reduce_or3A_347 = arith.select %ge3A_342, %reduce_or3A_345, %reduce_or3A_346 : vector<16xi1>, vector<16xf32>
                %reduce_or3A_348 = arith.constant true
                %reduce_or3A_349 = vector.broadcast %reduce_or3A_348 : i1 to vector<16xi1>
                %reduce_or3A_350 = tpu.scan <max>, %reduce_or3A_347 masked %reduce_or3A_349 : vector<16xf32>, vector<16xi1> -> vector<16xf32>
                %reduce_or3A_351 = vector.extract %reduce_or3A_350[15] : f32 from vector<16xf32>
                %reduce_or3A_352 = arith.constant 0.000000e+00 : f32
                %reduce_or3A_353 = arith.cmpf ogt, %reduce_or3A_351, %reduce_or3A_352 : f32
                %convert_element_type3A_354 = arith.extui %reduce_or3A_353 : i1 to i32
                %cond3A_355 = arith.constant 0 : i32
                %cond3A_356 = arith.cmpi ne, %convert_element_type3A_354, %cond3A_355 : i32
                scf.if %cond3A_356 {
                  %swap3A_361 = arith.index_cast %while3A_337 : i32 to index
                  %swap3A_362 = tpu.vector_load %arg6[%swap3A_361] {strides = array<i32>} : memref<4096xf32, #tpu.memory_space<vmem>>, vector<16xf32>,
                  tpu.vector_store %arg6[%swap3A_361], %get3A_341 {strides = array<i32>} : memref<4096xf32, #tpu.memory_space<vmem>>, vector<16xf32>,
                  %mul3A_363 = arith.constant 16 : i32
                  %mul3A_364 = arith.muli %while3A_336, %mul3A_363 : i32
                  %get3A_365 = arith.index_cast %mul3A_364 : i32 to index
                  %get3A_366 = tpu.vector_load %arg7[%get3A_365] {strides = array<i32>} : memref<4096xi32, #tpu.memory_space<vmem>>, vector<16xi32>,
                  %swap3A_367 = arith.index_cast %while3A_337 : i32 to index
                  %swap3A_368 = tpu.vector_load %arg7[%swap3A_367] {strides = array<i32>} : memref<4096xi32, #tpu.memory_space<vmem>>, vector<16xi32>,
                  tpu.vector_store %arg7[%swap3A_367], %get3A_366 {strides = array<i32>} : memref<4096xi32, #tpu.memory_space<vmem>>, vector<16xi32>,
                } else {
                }
                %jit3A_357 = arith.constant 16 : i32
                %jit3A_358 = arith.constant 0 : i32
                %select_n3A_359 = arith.select %reduce_or3A_353, %jit3A_357, %jit3A_358 : i32
                %add3A_360 = arith.addi %while3A_337, %select_n3A_359 : i32
                scf.yield %add3A_360 : i32
              }
              %swap3A_333 = arith.constant 0 : i32
              %swap3A_334 = arith.index_cast %swap3A_333 : i32 to index
              %swap3A_335 = memref.load %arg9[%swap3A_334] : memref<1xi32, #tpu.memory_space<smem>>
              memref.store %while3A_332, %arg9[%swap3A_334] : memref<1xi32, #tpu.memory_space<smem>>
            } else {
            }
            %get3A_256 = arith.constant 0 : i32
            %get3A_257 = arith.index_cast %get3A_256 : i32 to index
            %get3A_258 = memref.load %arg9[%get3A_257] : memref<1xi32, #tpu.memory_space<smem>>
            %swap3A_259 = arith.index_cast %get3A_258 : i32 to index
            %swap3A_260 = tpu.vector_load %arg6[%swap3A_259] {strides = array<i32>} : memref<4096xf32, #tpu.memory_space<vmem>>, vector<16xf32>,
            tpu.vector_store %arg6[%swap3A_259], %get3A_147 {strides = array<i32>} : memref<4096xf32, #tpu.memory_space<vmem>>, vector<16xf32>,
            %add3A_261 = vector.broadcast %mul3A_145 : i32 to vector<16xi32>
            %add3A_262 = arith.addi %iota3A, %add3A_261 : vector<16xi32>
            %swap3A_263 = arith.index_cast %get3A_258 : i32 to index
            %swap3A_264 = tpu.vector_load %arg7[%swap3A_263] {strides = array<i32>} : memref<4096xi32, #tpu.memory_space<vmem>>, vector<16xi32>,
            tpu.vector_store %arg7[%swap3A_263], %add3A_262 {strides = array<i32>} : memref<4096xi32, #tpu.memory_space<vmem>>, vector<16xi32>,
            %add3A_265 = arith.constant 16 : i32
            %add3A_266 = arith.addi %get3A_258, %add3A_265 : i32
            %swap3A_267 = arith.constant 0 : i32
            %swap3A_268 = arith.index_cast %swap3A_267 : i32 to index
            %swap3A_269 = memref.load %arg9[%swap3A_268] : memref<1xi32, #tpu.memory_space<smem>>
            memref.store %add3A_266, %arg9[%swap3A_268] : memref<1xi32, #tpu.memory_space<smem>>
            %masked_sort3A_270 = arith.constant dense<true> : vector<16xi1>
            %masked_sort3A_271, %masked_sort3A_272, %masked_sort3A_273 = tpu.sort %scan3A_140, %scan3A_140 masked %masked_sort3A_270 : (vector<16xf32>, vector<16xf32>, vector<16xi1>) -> (vector<16xi1>, vector<16xf32>, vector<16xf32>)
            %masked_sort3A_274 = arith.constant dense<true> : vector<16xi1>
            %masked_sort3A_275, %masked_sort3A_276, %masked_sort3A_277 = tpu.sort %get3A_147, %get3A_147 masked %masked_sort3A_274 {descending = true} : (vector<16xf32>, vector<16xf32>, vector<16xi1>) -> (vector<16xi1>, vector<16xf32>, vector<16xf32>)
            %max3A_278 = arith.maximumf %masked_sort3A_272, %masked_sort3A_276 : vector<16xf32>
            %masked_sort3A_279 = arith.constant dense<true> : vector<16xi1>
            %masked_sort3A_280, %masked_sort3A_281, %masked_sort3A_282 = tpu.sort %scan3A_139, %scan3A_139 masked %masked_sort3A_279 : (vector<16xf32>, vector<16xf32>, vector<16xi1>) -> (vector<16xi1>, vector<16xf32>, vector<16xf32>)
            %masked_sort3A_283 = arith.constant dense<true> : vector<16xi1>
            %masked_sort3A_284, %masked_sort3A_285, %masked_sort3A_286 = tpu.sort %max3A_278, %max3A_278 masked %masked_sort3A_283 {descending = true} : (vector<16xf32>, vector<16xf32>, vector<16xi1>) -> (vector<16xi1>, vector<16xf32>, vector<16xf32>)
            %max3A_287 = arith.maximumf %masked_sort3A_281, %masked_sort3A_285 : vector<16xf32>
            %min3A_288 = arith.minimumf %masked_sort3A_281, %masked_sort3A_285 : vector<16xf32>
            %reduce_min3A_289 = arith.constant true
            %reduce_min3A_290 = vector.broadcast %reduce_min3A_289 : i1 to vector<16xi1>
            %reduce_min3A_291 = tpu.scan <min>, %min3A_288 masked %reduce_min3A_290 : vector<16xf32>, vector<16xi1> -> vector<16xf32>
            %reduce_min3A_292 = vector.extract %reduce_min3A_291[15] : f32 from vector<16xf32>
            %broadcast_in_dim3A_293 = vector.broadcast %reduce_min3A_292 : f32 to vector<16xf32>
            scf.yield %max3A_287, %min3A_288, %broadcast_in_dim3A_293 : vector<16xf32>, vector<16xf32>, vector<16xf32>
          } else {
            scf.yield %scan3A_139, %scan3A_140, %scan3A_141 : vector<16xf32>, vector<16xf32>, vector<16xf32>
          }
          %add3A_195 = arith.constant 16 : i32
          %add3A_196 = arith.addi %mul3A_145, %add3A_195 : i32
          %gt3A_197 = arith.cmpf ogt, %get3A_151, %cond3A_194#2 : vector<16xf32>
          %reduce_or3A_198 = arith.constant 1.000000e+00 : f32
          %reduce_or3A_199 = arith.constant 0.000000e+00 : f32
          %reduce_or3A_200 = vector.broadcast %reduce_or3A_198 : f32 to vector<16xf32>
          %reduce_or3A_201 = vector.broadcast %reduce_or3A_199 : f32 to vector<16xf32>
          %reduce_or3A_202 = arith.select %gt3A_197, %reduce_or3A_200, %reduce_or3A_201 : vector<16xi1>, vector<16xf32>
          %reduce_or3A_203 = arith.constant true
          %reduce_or3A_204 = vector.broadcast %reduce_or3A_203 : i1 to vector<16xi1>
          %reduce_or3A_205 = tpu.scan <max>, %reduce_or3A_202 masked %reduce_or3A_204 : vector<16xf32>, vector<16xi1> -> vector<16xf32>
          %reduce_or3A_206 = vector.extract %reduce_or3A_205[15] : f32 from vector<16xf32>
          %reduce_or3A_207 = arith.constant 0.000000e+00 : f32
          %reduce_or3A_208 = arith.cmpf ogt, %reduce_or3A_206, %reduce_or3A_207 : f32
          %convert_element_type3A_209 = arith.extui %reduce_or3A_208 : i1 to i32
          %cond3A_210 = arith.constant 0 : i32
          %cond3A_211 = arith.cmpi ne, %convert_element_type3A_209, %cond3A_210 : i32
          %cond3A_212:3 = scf.if %cond3A_211 -> (vector<16xf32>, vector<16xf32>, vector<16xf32>) {
            %get3A_249 = arith.constant 0 : i32
            %get3A_250 = arith.index_cast %get3A_249 : i32 to index
            %get3A_251 = memref.load %arg9[%get3A_250] : memref<1xi32, #tpu.memory_space<smem>>
            %ge3A = arith.constant 4080 : i32
            %ge3A_252 = arith.cmpi sge, %get3A_251, %ge3A : i32
            %convert_element_type3A_253 = arith.extui %ge3A_252 : i1 to i32
            %cond3A_254 = arith.constant 0 : i32
            %cond3A_255 = arith.cmpi ne, %convert_element_type3A_253, %cond3A_254 : i32
            scf.if %cond3A_255 {
              %get3A_294 = arith.constant 0 : i32
              %get3A_295 = arith.index_cast %get3A_294 : i32 to index
              %get3A_296 = memref.load %arg9[%get3A_295] : memref<1xi32, #tpu.memory_space<smem>>
              %jit3A_297 = arith.constant 16 : i32
              %div3A_298 = arith.divsi %get3A_296, %jit3A_297 : i32
              %sign3A_299 = arith.constant 0 : i32
              %sign3A_300 = arith.cmpi sgt, %get3A_296, %sign3A_299 : i32
              %sign3A_301 = arith.extui %sign3A_300 : i1 to i32
              %sign3A_302 = arith.constant 0 : i32
              %sign3A_303 = arith.cmpi slt, %get3A_296, %sign3A_302 : i32
              %sign3A_304 = arith.extui %sign3A_303 : i1 to i32
              %sign3A_305 = arith.subi %sign3A_301, %sign3A_304 : i32
              %sign3A_306 = arith.constant 0 : i32
              %sign3A_307 = arith.cmpi sgt, %jit3A_297, %sign3A_306 : i32
              %sign3A_308 = arith.extui %sign3A_307 : i1 to i32
              %sign3A_309 = arith.constant 0 : i32
              %sign3A_310 = arith.cmpi slt, %jit3A_297, %sign3A_309 : i32
              %sign3A_311 = arith.extui %sign3A_310 : i1 to i32
              %sign3A_312 = arith.subi %sign3A_308, %sign3A_311 : i32
              %ne3A_313 = arith.cmpi ne, %sign3A_305, %sign3A_312 : i32
              %rem3A_314 = arith.remsi %get3A_296, %jit3A_297 : i32
              %ne3A_315 = arith.constant 0 : i32
              %ne3A_316 = arith.cmpi ne, %rem3A_314, %ne3A_315 : i32
              %and3A_317 = arith.andi %ne3A_313, %ne3A_316 : i1
              %sub3A_318 = arith.constant 1 : i32
              %sub3A_319 = arith.subi %div3A_298, %sub3A_318 : i32
              %select_n3A_320 = arith.select %and3A_317, %sub3A_319, %div3A_298 : i32
              %while3A_321 = arith.constant 0 : i32
              %while3A_322 = arith.constant 0 : i32
              %while3A_323 = arith.subi %select_n3A_320, %while3A_321 : i32
              %while3A_324 = arith.addi %while3A_321, %while3A_323 : i32
              %while3A_325 = arith.constant 1 : i32
              %while3A_326 = arith.divsi %while3A_323, %while3A_325 : i32
              %while3A_327 = arith.muli %while3A_326, %while3A_325 : i32
              %while3A_328 = arith.addi %while3A_321, %while3A_327 : i32
              %while3A_329 = arith.constant 1 : i32
              %while3A_330 = scf.for %while3A_336 = %while3A_321 to %while3A_328 step %while3A_329 iter_args(%while3A_337 = %while3A_322) -> (i32)  : i32 {
                %mul3A_338 = arith.constant 16 : i32
                %mul3A_339 = arith.muli %while3A_336, %mul3A_338 : i32
                %get3A_340 = arith.index_cast %mul3A_339 : i32 to index
                %get3A_341 = tpu.vector_load %arg6[%get3A_340] {strides = array<i32>} : memref<4096xf32, #tpu.memory_space<vmem>>, vector<16xf32>,
                %ge3A_342 = arith.cmpf oge, %get3A_341, %cond3A_194#2 : vector<16xf32>
                %reduce_or3A_343 = arith.constant 1.000000e+00 : f32
                %reduce_or3A_344 = arith.constant 0.000000e+00 : f32
                %reduce_or3A_345 = vector.broadcast %reduce_or3A_343 : f32 to vector<16xf32>
                %reduce_or3A_346 = vector.broadcast %reduce_or3A_344 : f32 to vector<16xf32>
                %reduce_or3A_347 = arith.select %ge3A_342, %reduce_or3A_345, %reduce_or3A_346 : vector<16xi1>, vector<16xf32>
                %reduce_or3A_348 = arith.constant true
                %reduce_or3A_349 = vector.broadcast %reduce_or3A_348 : i1 to vector<16xi1>
                %reduce_or3A_350 = tpu.scan <max>, %reduce_or3A_347 masked %reduce_or3A_349 : vector<16xf32>, vector<16xi1> -> vector<16xf32>
                %reduce_or3A_351 = vector.extract %reduce_or3A_350[15] : f32 from vector<16xf32>
                %reduce_or3A_352 = arith.constant 0.000000e+00 : f32
                %reduce_or3A_353 = arith.cmpf ogt, %reduce_or3A_351, %reduce_or3A_352 : f32
                %convert_element_type3A_354 = arith.extui %reduce_or3A_353 : i1 to i32
                %cond3A_355 = arith.constant 0 : i32
                %cond3A_356 = arith.cmpi ne, %convert_element_type3A_354, %cond3A_355 : i32
                scf.if %cond3A_356 {
                  %swap3A_361 = arith.index_cast %while3A_337 : i32 to index
                  %swap3A_362 = tpu.vector_load %arg6[%swap3A_361] {strides = array<i32>} : memref<4096xf32, #tpu.memory_space<vmem>>, vector<16xf32>,
                  tpu.vector_store %arg6[%swap3A_361], %get3A_341 {strides = array<i32>} : memref<4096xf32, #tpu.memory_space<vmem>>, vector<16xf32>,
                  %mul3A_363 = arith.constant 16 : i32
                  %mul3A_364 = arith.muli %while3A_336, %mul3A_363 : i32
                  %get3A_365 = arith.index_cast %mul3A_364 : i32 to index
                  %get3A_366 = tpu.vector_load %arg7[%get3A_365] {strides = array<i32>} : memref<4096xi32, #tpu.memory_space<vmem>>, vector<16xi32>,
                  %swap3A_367 = arith.index_cast %while3A_337 : i32 to index
                  %swap3A_368 = tpu.vector_load %arg7[%swap3A_367] {strides = array<i32>} : memref<4096xi32, #tpu.memory_space<vmem>>, vector<16xi32>,
                  tpu.vector_store %arg7[%swap3A_367], %get3A_366 {strides = array<i32>} : memref<4096xi32, #tpu.memory_space<vmem>>, vector<16xi32>,
                } else {
                }
                %jit3A_357 = arith.constant 16 : i32
                %jit3A_358 = arith.constant 0 : i32
                %select_n3A_359 = arith.select %reduce_or3A_353, %jit3A_357, %jit3A_358 : i32
                %add3A_360 = arith.addi %while3A_337, %select_n3A_359 : i32
                scf.yield %add3A_360 : i32
              }
              %while3A_331 = arith.constant 1 : i32
              %while3A_332 = scf.for %while3A_336 = %while3A_328 to %while3A_324 step %while3A_331 iter_args(%while3A_337 = %while3A_330) -> (i32)  : i32 {
                %mul3A_338 = arith.constant 16 : i32
                %mul3A_339 = arith.muli %while3A_336, %mul3A_338 : i32
                %get3A_340 = arith.index_cast %mul3A_339 : i32 to index
                %get3A_341 = tpu.vector_load %arg6[%get3A_340] {strides = array<i32>} : memref<4096xf32, #tpu.memory_space<vmem>>, vector<16xf32>,
                %ge3A_342 = arith.cmpf oge, %get3A_341, %cond3A_194#2 : vector<16xf32>
                %reduce_or3A_343 = arith.constant 1.000000e+00 : f32
                %reduce_or3A_344 = arith.constant 0.000000e+00 : f32
                %reduce_or3A_345 = vector.broadcast %reduce_or3A_343 : f32 to vector<16xf32>
                %reduce_or3A_346 = vector.broadcast %reduce_or3A_344 : f32 to vector<16xf32>
                %reduce_or3A_347 = arith.select %ge3A_342, %reduce_or3A_345, %reduce_or3A_346 : vector<16xi1>, vector<16xf32>
                %reduce_or3A_348 = arith.constant true
                %reduce_or3A_349 = vector.broadcast %reduce_or3A_348 : i1 to vector<16xi1>
                %reduce_or3A_350 = tpu.scan <max>, %reduce_or3A_347 masked %reduce_or3A_349 : vector<16xf32>, vector<16xi1> -> vector<16xf32>
                %reduce_or3A_351 = vector.extract %reduce_or3A_350[15] : f32 from vector<16xf32>
                %reduce_or3A_352 = arith.constant 0.000000e+00 : f32
                %reduce_or3A_353 = arith.cmpf ogt, %reduce_or3A_351, %reduce_or3A_352 : f32
                %convert_element_type3A_354 = arith.extui %reduce_or3A_353 : i1 to i32
                %cond3A_355 = arith.constant 0 : i32
                %cond3A_356 = arith.cmpi ne, %convert_element_type3A_354, %cond3A_355 : i32
                scf.if %cond3A_356 {
                  %swap3A_361 = arith.index_cast %while3A_337 : i32 to index
                  %swap3A_362 = tpu.vector_load %arg6[%swap3A_361] {strides = array<i32>} : memref<4096xf32, #tpu.memory_space<vmem>>, vector<16xf32>,
                  tpu.vector_store %arg6[%swap3A_361], %get3A_341 {strides = array<i32>} : memref<4096xf32, #tpu.memory_space<vmem>>, vector<16xf32>,
                  %mul3A_363 = arith.constant 16 : i32
                  %mul3A_364 = arith.muli %while3A_336, %mul3A_363 : i32
                  %get3A_365 = arith.index_cast %mul3A_364 : i32 to index
                  %get3A_366 = tpu.vector_load %arg7[%get3A_365] {strides = array<i32>} : memref<4096xi32, #tpu.memory_space<vmem>>, vector<16xi32>,
                  %swap3A_367 = arith.index_cast %while3A_337 : i32 to index
                  %swap3A_368 = tpu.vector_load %arg7[%swap3A_367] {strides = array<i32>} : memref<4096xi32, #tpu.memory_space<vmem>>, vector<16xi32>,
                  tpu.vector_store %arg7[%swap3A_367], %get3A_366 {strides = array<i32>} : memref<4096xi32, #tpu.memory_space<vmem>>, vector<16xi32>,
                } else {
                }
                %jit3A_357 = arith.constant 16 : i32
                %jit3A_358 = arith.constant 0 : i32
                %select_n3A_359 = arith.select %reduce_or3A_353, %jit3A_357, %jit3A_358 : i32
                %add3A_360 = arith.addi %while3A_337, %select_n3A_359 : i32
                scf.yield %add3A_360 : i32
              }
              %swap3A_333 = arith.constant 0 : i32
              %swap3A_334 = arith.index_cast %swap3A_333 : i32 to index
              %swap3A_335 = memref.load %arg9[%swap3A_334] : memref<1xi32, #tpu.memory_space<smem>>
              memref.store %while3A_332, %arg9[%swap3A_334] : memref<1xi32, #tpu.memory_space<smem>>
            } else {
            }
            %get3A_256 = arith.constant 0 : i32
            %get3A_257 = arith.index_cast %get3A_256 : i32 to index
            %get3A_258 = memref.load %arg9[%get3A_257] : memref<1xi32, #tpu.memory_space<smem>>
            %swap3A_259 = arith.index_cast %get3A_258 : i32 to index
            %swap3A_260 = tpu.vector_load %arg6[%swap3A_259] {strides = array<i32>} : memref<4096xf32, #tpu.memory_space<vmem>>, vector<16xf32>,
            tpu.vector_store %arg6[%swap3A_259], %get3A_151 {strides = array<i32>} : memref<4096xf32, #tpu.memory_space<vmem>>, vector<16xf32>,
            %add3A_261 = vector.broadcast %add3A_196 : i32 to vector<16xi32>
            %add3A_262 = arith.addi %iota3A, %add3A_261 : vector<16xi32>
            %swap3A_263 = arith.index_cast %get3A_258 : i32 to index
            %swap3A_264 = tpu.vector_load %arg7[%swap3A_263] {strides = array<i32>} : memref<4096xi32, #tpu.memory_space<vmem>>, vector<16xi32>,
            tpu.vector_store %arg7[%swap3A_263], %add3A_262 {strides = array<i32>} : memref<4096xi32, #tpu.memory_space<vmem>>, vector<16xi32>,
            %add3A_265 = arith.constant 16 : i32
            %add3A_266 = arith.addi %get3A_258, %add3A_265 : i32
            %swap3A_267 = arith.constant 0 : i32
            %swap3A_268 = arith.index_cast %swap3A_267 : i32 to index
            %swap3A_269 = memref.load %arg9[%swap3A_268] : memref<1xi32, #tpu.memory_space<smem>>
            memref.store %add3A_266, %arg9[%swap3A_268] : memref<1xi32, #tpu.memory_space<smem>>
            %masked_sort3A_270 = arith.constant dense<true> : vector<16xi1>
            %masked_sort3A_271, %masked_sort3A_272, %masked_sort3A_273 = tpu.sort %cond3A_194#1, %cond3A_194#1 masked %masked_sort3A_270 : (vector<16xf32>, vector<16xf32>, vector<16xi1>) -> (vector<16xi1>, vector<16xf32>, vector<16xf32>)
            %masked_sort3A_274 = arith.constant dense<true> : vector<16xi1>
            %masked_sort3A_275, %masked_sort3A_276, %masked_sort3A_277 = tpu.sort %get3A_151, %get3A_151 masked %masked_sort3A_274 {descending = true} : (vector<16xf32>, vector<16xf32>, vector<16xi1>) -> (vector<16xi1>, vector<16xf32>, vector<16xf32>)
            %max3A_278 = arith.maximumf %masked_sort3A_272, %masked_sort3A_276 : vector<16xf32>
            %masked_sort3A_279 = arith.constant dense<true> : vector<16xi1>
            %masked_sort3A_280, %masked_sort3A_281, %masked_sort3A_282 = tpu.sort %cond3A_194#0, %cond3A_194#0 masked %masked_sort3A_279 : (vector<16xf32>, vector<16xf32>, vector<16xi1>) -> (vector<16xi1>, vector<16xf32>, vector<16xf32>)
            %masked_sort3A_283 = arith.constant dense<true> : vector<16xi1>
            %masked_sort3A_284, %masked_sort3A_285, %masked_sort3A_286 = tpu.sort %max3A_278, %max3A_278 masked %masked_sort3A_283 {descending = true} : (vector<16xf32>, vector<16xf32>, vector<16xi1>) -> (vector<16xi1>, vector<16xf32>, vector<16xf32>)
            %max3A_287 = arith.maximumf %masked_sort3A_281, %masked_sort3A_285 : vector<16xf32>
            %min3A_288 = arith.minimumf %masked_sort3A_281, %masked_sort3A_285 : vector<16xf32>
            %reduce_min3A_289 = arith.constant true
            %reduce_min3A_290 = vector.broadcast %reduce_min3A_289 : i1 to vector<16xi1>
            %reduce_min3A_291 = tpu.scan <min>, %min3A_288 masked %reduce_min3A_290 : vector<16xf32>, vector<16xi1> -> vector<16xf32>
            %reduce_min3A_292 = vector.extract %reduce_min3A_291[15] : f32 from vector<16xf32>
            %broadcast_in_dim3A_293 = vector.broadcast %reduce_min3A_292 : f32 to vector<16xf32>
            scf.yield %max3A_287, %min3A_288, %broadcast_in_dim3A_293 : vector<16xf32>, vector<16xf32>, vector<16xf32>
          } else {
            scf.yield %cond3A_194#0, %cond3A_194#1, %cond3A_194#2 : vector<16xf32>, vector<16xf32>, vector<16xf32>
          }
          %add3A_213 = arith.constant 32 : i32
          %add3A_214 = arith.addi %mul3A_145, %add3A_213 : i32
          %gt3A_215 = arith.cmpf ogt, %get3A_155, %cond3A_212#2 : vector<16xf32>
          %reduce_or3A_216 = arith.constant 1.000000e+00 : f32
          %reduce_or3A_217 = arith.constant 0.000000e+00 : f32
          %reduce_or3A_218 = vector.broadcast %reduce_or3A_216 : f32 to vector<16xf32>
          %reduce_or3A_219 = vector.broadcast %reduce_or3A_217 : f32 to vector<16xf32>
          %reduce_or3A_220 = arith.select %gt3A_215, %reduce_or3A_218, %reduce_or3A_219 : vector<16xi1>, vector<16xf32>
          %reduce_or3A_221 = arith.constant true
          %reduce_or3A_222 = vector.broadcast %reduce_or3A_221 : i1 to vector<16xi1>
          %reduce_or3A_223 = tpu.scan <max>, %reduce_or3A_220 masked %reduce_or3A_222 : vector<16xf32>, vector<16xi1> -> vector<16xf32>
          %reduce_or3A_224 = vector.extract %reduce_or3A_223[15] : f32 from vector<16xf32>
          %reduce_or3A_225 = arith.constant 0.000000e+00 : f32
          %reduce_or3A_226 = arith.cmpf ogt, %reduce_or3A_224, %reduce_or3A_225 : f32
          %convert_element_type3A_227 = arith.extui %reduce_or3A_226 : i1 to i32
          %cond3A_228 = arith.constant 0 : i32
          %cond3A_229 = arith.cmpi ne, %convert_element_type3A_227, %cond3A_228 : i32
          %cond3A_230:3 = scf.if %cond3A_229 -> (vector<16xf32>, vector<16xf32>, vector<16xf32>) {
            %get3A_249 = arith.constant 0 : i32
            %get3A_250 = arith.index_cast %get3A_249 : i32 to index
            %get3A_251 = memref.load %arg9[%get3A_250] : memref<1xi32, #tpu.memory_space<smem>>
            %ge3A = arith.constant 4080 : i32
            %ge3A_252 = arith.cmpi sge, %get3A_251, %ge3A : i32
            %convert_element_type3A_253 = arith.extui %ge3A_252 : i1 to i32
            %cond3A_254 = arith.constant 0 : i32
            %cond3A_255 = arith.cmpi ne, %convert_element_type3A_253, %cond3A_254 : i32
            scf.if %cond3A_255 {
              %get3A_294 = arith.constant 0 : i32
              %get3A_295 = arith.index_cast %get3A_294 : i32 to index
              %get3A_296 = memref.load %arg9[%get3A_295] : memref<1xi32, #tpu.memory_space<smem>>
              %jit3A_297 = arith.constant 16 : i32
              %div3A_298 = arith.divsi %get3A_296, %jit3A_297 : i32
              %sign3A_299 = arith.constant 0 : i32
              %sign3A_300 = arith.cmpi sgt, %get3A_296, %sign3A_299 : i32
              %sign3A_301 = arith.extui %sign3A_300 : i1 to i32
              %sign3A_302 = arith.constant 0 : i32
              %sign3A_303 = arith.cmpi slt, %get3A_296, %sign3A_302 : i32
              %sign3A_304 = arith.extui %sign3A_303 : i1 to i32
              %sign3A_305 = arith.subi %sign3A_301, %sign3A_304 : i32
              %sign3A_306 = arith.constant 0 : i32
              %sign3A_307 = arith.cmpi sgt, %jit3A_297, %sign3A_306 : i32
              %sign3A_308 = arith.extui %sign3A_307 : i1 to i32
              %sign3A_309 = arith.constant 0 : i32
              %sign3A_310 = arith.cmpi slt, %jit3A_297, %sign3A_309 : i32
              %sign3A_311 = arith.extui %sign3A_310 : i1 to i32
              %sign3A_312 = arith.subi %sign3A_308, %sign3A_311 : i32
              %ne3A_313 = arith.cmpi ne, %sign3A_305, %sign3A_312 : i32
              %rem3A_314 = arith.remsi %get3A_296, %jit3A_297 : i32
              %ne3A_315 = arith.constant 0 : i32
              %ne3A_316 = arith.cmpi ne, %rem3A_314, %ne3A_315 : i32
              %and3A_317 = arith.andi %ne3A_313, %ne3A_316 : i1
              %sub3A_318 = arith.constant 1 : i32
              %sub3A_319 = arith.subi %div3A_298, %sub3A_318 : i32
              %select_n3A_320 = arith.select %and3A_317, %sub3A_319, %div3A_298 : i32
              %while3A_321 = arith.constant 0 : i32
              %while3A_322 = arith.constant 0 : i32
              %while3A_323 = arith.subi %select_n3A_320, %while3A_321 : i32
              %while3A_324 = arith.addi %while3A_321, %while3A_323 : i32
              %while3A_325 = arith.constant 1 : i32
              %while3A_326 = arith.divsi %while3A_323, %while3A_325 : i32
              %while3A_327 = arith.muli %while3A_326, %while3A_325 : i32
              %while3A_328 = arith.addi %while3A_321, %while3A_327 : i32
              %while3A_329 = arith.constant 1 : i32
              %while3A_330 = scf.for %while3A_336 = %while3A_321 to %while3A_328 step %while3A_329 iter_args(%while3A_337 = %while3A_322) -> (i32)  : i32 {
                %mul3A_338 = arith.constant 16 : i32
                %mul3A_339 = arith.muli %while3A_336, %mul3A_338 : i32
                %get3A_340 = arith.index_cast %mul3A_339 : i32 to index
                %get3A_341 = tpu.vector_load %arg6[%get3A_340] {strides = array<i32>} : memref<4096xf32, #tpu.memory_space<vmem>>, vector<16xf32>,
                %ge3A_342 = arith.cmpf oge, %get3A_341, %cond3A_212#2 : vector<16xf32>
                %reduce_or3A_343 = arith.constant 1.000000e+00 : f32
                %reduce_or3A_344 = arith.constant 0.000000e+00 : f32
                %reduce_or3A_345 = vector.broadcast %reduce_or3A_343 : f32 to vector<16xf32>
                %reduce_or3A_346 = vector.broadcast %reduce_or3A_344 : f32 to vector<16xf32>
                %reduce_or3A_347 = arith.select %ge3A_342, %reduce_or3A_345, %reduce_or3A_346 : vector<16xi1>, vector<16xf32>
                %reduce_or3A_348 = arith.constant true
                %reduce_or3A_349 = vector.broadcast %reduce_or3A_348 : i1 to vector<16xi1>
                %reduce_or3A_350 = tpu.scan <max>, %reduce_or3A_347 masked %reduce_or3A_349 : vector<16xf32>, vector<16xi1> -> vector<16xf32>
                %reduce_or3A_351 = vector.extract %reduce_or3A_350[15] : f32 from vector<16xf32>
                %reduce_or3A_352 = arith.constant 0.000000e+00 : f32
                %reduce_or3A_353 = arith.cmpf ogt, %reduce_or3A_351, %reduce_or3A_352 : f32
                %convert_element_type3A_354 = arith.extui %reduce_or3A_353 : i1 to i32
                %cond3A_355 = arith.constant 0 : i32
                %cond3A_356 = arith.cmpi ne, %convert_element_type3A_354, %cond3A_355 : i32
                scf.if %cond3A_356 {
                  %swap3A_361 = arith.index_cast %while3A_337 : i32 to index
                  %swap3A_362 = tpu.vector_load %arg6[%swap3A_361] {strides = array<i32>} : memref<4096xf32, #tpu.memory_space<vmem>>, vector<16xf32>,
                  tpu.vector_store %arg6[%swap3A_361], %get3A_341 {strides = array<i32>} : memref<4096xf32, #tpu.memory_space<vmem>>, vector<16xf32>,
                  %mul3A_363 = arith.constant 16 : i32
                  %mul3A_364 = arith.muli %while3A_336, %mul3A_363 : i32
                  %get3A_365 = arith.index_cast %mul3A_364 : i32 to index
                  %get3A_366 = tpu.vector_load %arg7[%get3A_365] {strides = array<i32>} : memref<4096xi32, #tpu.memory_space<vmem>>, vector<16xi32>,
                  %swap3A_367 = arith.index_cast %while3A_337 : i32 to index
                  %swap3A_368 = tpu.vector_load %arg7[%swap3A_367] {strides = array<i32>} : memref<4096xi32, #tpu.memory_space<vmem>>, vector<16xi32>,
                  tpu.vector_store %arg7[%swap3A_367], %get3A_366 {strides = array<i32>} : memref<4096xi32, #tpu.memory_space<vmem>>, vector<16xi32>,
                } else {
                }
                %jit3A_357 = arith.constant 16 : i32
                %jit3A_358 = arith.constant 0 : i32
                %select_n3A_359 = arith.select %reduce_or3A_353, %jit3A_357, %jit3A_358 : i32
                %add3A_360 = arith.addi %while3A_337, %select_n3A_359 : i32
                scf.yield %add3A_360 : i32
              }
              %while3A_331 = arith.constant 1 : i32
              %while3A_332 = scf.for %while3A_336 = %while3A_328 to %while3A_324 step %while3A_331 iter_args(%while3A_337 = %while3A_330) -> (i32)  : i32 {
                %mul3A_338 = arith.constant 16 : i32
                %mul3A_339 = arith.muli %while3A_336, %mul3A_338 : i32
                %get3A_340 = arith.index_cast %mul3A_339 : i32 to index
                %get3A_341 = tpu.vector_load %arg6[%get3A_340] {strides = array<i32>} : memref<4096xf32, #tpu.memory_space<vmem>>, vector<16xf32>,
                %ge3A_342 = arith.cmpf oge, %get3A_341, %cond3A_212#2 : vector<16xf32>
                %reduce_or3A_343 = arith.constant 1.000000e+00 : f32
                %reduce_or3A_344 = arith.constant 0.000000e+00 : f32
                %reduce_or3A_345 = vector.broadcast %reduce_or3A_343 : f32 to vector<16xf32>
                %reduce_or3A_346 = vector.broadcast %reduce_or3A_344 : f32 to vector<16xf32>
                %reduce_or3A_347 = arith.select %ge3A_342, %reduce_or3A_345, %reduce_or3A_346 : vector<16xi1>, vector<16xf32>
                %reduce_or3A_348 = arith.constant true
                %reduce_or3A_349 = vector.broadcast %reduce_or3A_348 : i1 to vector<16xi1>
                %reduce_or3A_350 = tpu.scan <max>, %reduce_or3A_347 masked %reduce_or3A_349 : vector<16xf32>, vector<16xi1> -> vector<16xf32>
                %reduce_or3A_351 = vector.extract %reduce_or3A_350[15] : f32 from vector<16xf32>
                %reduce_or3A_352 = arith.constant 0.000000e+00 : f32
                %reduce_or3A_353 = arith.cmpf ogt, %reduce_or3A_351, %reduce_or3A_352 : f32
                %convert_element_type3A_354 = arith.extui %reduce_or3A_353 : i1 to i32
                %cond3A_355 = arith.constant 0 : i32
                %cond3A_356 = arith.cmpi ne, %convert_element_type3A_354, %cond3A_355 : i32
                scf.if %cond3A_356 {
                  %swap3A_361 = arith.index_cast %while3A_337 : i32 to index
                  %swap3A_362 = tpu.vector_load %arg6[%swap3A_361] {strides = array<i32>} : memref<4096xf32, #tpu.memory_space<vmem>>, vector<16xf32>,
                  tpu.vector_store %arg6[%swap3A_361], %get3A_341 {strides = array<i32>} : memref<4096xf32, #tpu.memory_space<vmem>>, vector<16xf32>,
                  %mul3A_363 = arith.constant 16 : i32
                  %mul3A_364 = arith.muli %while3A_336, %mul3A_363 : i32
                  %get3A_365 = arith.index_cast %mul3A_364 : i32 to index
                  %get3A_366 = tpu.vector_load %arg7[%get3A_365] {strides = array<i32>} : memref<4096xi32, #tpu.memory_space<vmem>>, vector<16xi32>,
                  %swap3A_367 = arith.index_cast %while3A_337 : i32 to index
                  %swap3A_368 = tpu.vector_load %arg7[%swap3A_367] {strides = array<i32>} : memref<4096xi32, #tpu.memory_space<vmem>>, vector<16xi32>,
                  tpu.vector_store %arg7[%swap3A_367], %get3A_366 {strides = array<i32>} : memref<4096xi32, #tpu.memory_space<vmem>>, vector<16xi32>,
                } else {
                }
                %jit3A_357 = arith.constant 16 : i32
                %jit3A_358 = arith.constant 0 : i32
                %select_n3A_359 = arith.select %reduce_or3A_353, %jit3A_357, %jit3A_358 : i32
                %add3A_360 = arith.addi %while3A_337, %select_n3A_359 : i32
                scf.yield %add3A_360 : i32
              }
              %swap3A_333 = arith.constant 0 : i32
              %swap3A_334 = arith.index_cast %swap3A_333 : i32 to index
              %swap3A_335 = memref.load %arg9[%swap3A_334] : memref<1xi32, #tpu.memory_space<smem>>
              memref.store %while3A_332, %arg9[%swap3A_334] : memref<1xi32, #tpu.memory_space<smem>>
            } else {
            }
            %get3A_256 = arith.constant 0 : i32
            %get3A_257 = arith.index_cast %get3A_256 : i32 to index
            %get3A_258 = memref.load %arg9[%get3A_257] : memref<1xi32, #tpu.memory_space<smem>>
            %swap3A_259 = arith.index_cast %get3A_258 : i32 to index
            %swap3A_260 = tpu.vector_load %arg6[%swap3A_259] {strides = array<i32>} : memref<4096xf32, #tpu.memory_space<vmem>>, vector<16xf32>,
            tpu.vector_store %arg6[%swap3A_259], %get3A_155 {strides = array<i32>} : memref<4096xf32, #tpu.memory_space<vmem>>, vector<16xf32>,
            %add3A_261 = vector.broadcast %add3A_214 : i32 to vector<16xi32>
            %add3A_262 = arith.addi %iota3A, %add3A_261 : vector<16xi32>
            %swap3A_263 = arith.index_cast %get3A_258 : i32 to index
            %swap3A_264 = tpu.vector_load %arg7[%swap3A_263] {strides = array<i32>} : memref<4096xi32, #tpu.memory_space<vmem>>, vector<16xi32>,
            tpu.vector_store %arg7[%swap3A_263], %add3A_262 {strides = array<i32>} : memref<4096xi32, #tpu.memory_space<vmem>>, vector<16xi32>,
            %add3A_265 = arith.constant 16 : i32
            %add3A_266 = arith.addi %get3A_258, %add3A_265 : i32
            %swap3A_267 = arith.constant 0 : i32
            %swap3A_268 = arith.index_cast %swap3A_267 : i32 to index
            %swap3A_269 = memref.load %arg9[%swap3A_268] : memref<1xi32, #tpu.memory_space<smem>>
            memref.store %add3A_266, %arg9[%swap3A_268] : memref<1xi32, #tpu.memory_space<smem>>
            %masked_sort3A_270 = arith.constant dense<true> : vector<16xi1>
            %masked_sort3A_271, %masked_sort3A_272, %masked_sort3A_273 = tpu.sort %cond3A_212#1, %cond3A_212#1 masked %masked_sort3A_270 : (vector<16xf32>, vector<16xf32>, vector<16xi1>) -> (vector<16xi1>, vector<16xf32>, vector<16xf32>)
            %masked_sort3A_274 = arith.constant dense<true> : vector<16xi1>
            %masked_sort3A_275, %masked_sort3A_276, %masked_sort3A_277 = tpu.sort %get3A_155, %get3A_155 masked %masked_sort3A_274 {descending = true} : (vector<16xf32>, vector<16xf32>, vector<16xi1>) -> (vector<16xi1>, vector<16xf32>, vector<16xf32>)
            %max3A_278 = arith.maximumf %masked_sort3A_272, %masked_sort3A_276 : vector<16xf32>
            %masked_sort3A_279 = arith.constant dense<true> : vector<16xi1>
            %masked_sort3A_280, %masked_sort3A_281, %masked_sort3A_282 = tpu.sort %cond3A_212#0, %cond3A_212#0 masked %masked_sort3A_279 : (vector<16xf32>, vector<16xf32>, vector<16xi1>) -> (vector<16xi1>, vector<16xf32>, vector<16xf32>)
            %masked_sort3A_283 = arith.constant dense<true> : vector<16xi1>
            %masked_sort3A_284, %masked_sort3A_285, %masked_sort3A_286 = tpu.sort %max3A_278, %max3A_278 masked %masked_sort3A_283 {descending = true} : (vector<16xf32>, vector<16xf32>, vector<16xi1>) -> (vector<16xi1>, vector<16xf32>, vector<16xf32>)
            %max3A_287 = arith.maximumf %masked_sort3A_281, %masked_sort3A_285 : vector<16xf32>
            %min3A_288 = arith.minimumf %masked_sort3A_281, %masked_sort3A_285 : vector<16xf32>
            %reduce_min3A_289 = arith.constant true
            %reduce_min3A_290 = vector.broadcast %reduce_min3A_289 : i1 to vector<16xi1>
            %reduce_min3A_291 = tpu.scan <min>, %min3A_288 masked %reduce_min3A_290 : vector<16xf32>, vector<16xi1> -> vector<16xf32>
            %reduce_min3A_292 = vector.extract %reduce_min3A_291[15] : f32 from vector<16xf32>
            %broadcast_in_dim3A_293 = vector.broadcast %reduce_min3A_292 : f32 to vector<16xf32>
            scf.yield %max3A_287, %min3A_288, %broadcast_in_dim3A_293 : vector<16xf32>, vector<16xf32>, vector<16xf32>
          } else {
            scf.yield %cond3A_212#0, %cond3A_212#1, %cond3A_212#2 : vector<16xf32>, vector<16xf32>, vector<16xf32>
          }
          %add3A_231 = arith.constant 48 : i32
          %add3A_232 = arith.addi %mul3A_145, %add3A_231 : i32
          %gt3A_233 = arith.cmpf ogt, %get3A_159, %cond3A_230#2 : vector<16xf32>
          %reduce_or3A_234 = arith.constant 1.000000e+00 : f32
          %reduce_or3A_235 = arith.constant 0.000000e+00 : f32
          %reduce_or3A_236 = vector.broadcast %reduce_or3A_234 : f32 to vector<16xf32>
          %reduce_or3A_237 = vector.broadcast %reduce_or3A_235 : f32 to vector<16xf32>
          %reduce_or3A_238 = arith.select %gt3A_233, %reduce_or3A_236, %reduce_or3A_237 : vector<16xi1>, vector<16xf32>
          %reduce_or3A_239 = arith.constant true
          %reduce_or3A_240 = vector.broadcast %reduce_or3A_239 : i1 to vector<16xi1>
          %reduce_or3A_241 = tpu.scan <max>, %reduce_or3A_238 masked %reduce_or3A_240 : vector<16xf32>, vector<16xi1> -> vector<16xf32>
          %reduce_or3A_242 = vector.extract %reduce_or3A_241[15] : f32 from vector<16xf32>
          %reduce_or3A_243 = arith.constant 0.000000e+00 : f32
          %reduce_or3A_244 = arith.cmpf ogt, %reduce_or3A_242, %reduce_or3A_243 : f32
          %convert_element_type3A_245 = arith.extui %reduce_or3A_244 : i1 to i32
          %cond3A_246 = arith.constant 0 : i32
          %cond3A_247 = arith.cmpi ne, %convert_element_type3A_245, %cond3A_246 : i32
          %cond3A_248:3 = scf.if %cond3A_247 -> (vector<16xf32>, vector<16xf32>, vector<16xf32>) {
            %get3A_249 = arith.constant 0 : i32
            %get3A_250 = arith.index_cast %get3A_249 : i32 to index
            %get3A_251 = memref.load %arg9[%get3A_250] : memref<1xi32, #tpu.memory_space<smem>>
            %ge3A = arith.constant 4080 : i32
            %ge3A_252 = arith.cmpi sge, %get3A_251, %ge3A : i32
            %convert_element_type3A_253 = arith.extui %ge3A_252 : i1 to i32
            %cond3A_254 = arith.constant 0 : i32
            %cond3A_255 = arith.cmpi ne, %convert_element_type3A_253, %cond3A_254 : i32
            scf.if %cond3A_255 {
              %get3A_294 = arith.constant 0 : i32
              %get3A_295 = arith.index_cast %get3A_294 : i32 to index
              %get3A_296 = memref.load %arg9[%get3A_295] : memref<1xi32, #tpu.memory_space<smem>>
              %jit3A_297 = arith.constant 16 : i32
              %div3A_298 = arith.divsi %get3A_296, %jit3A_297 : i32
              %sign3A_299 = arith.constant 0 : i32
              %sign3A_300 = arith.cmpi sgt, %get3A_296, %sign3A_299 : i32
              %sign3A_301 = arith.extui %sign3A_300 : i1 to i32
              %sign3A_302 = arith.constant 0 : i32
              %sign3A_303 = arith.cmpi slt, %get3A_296, %sign3A_302 : i32
              %sign3A_304 = arith.extui %sign3A_303 : i1 to i32
              %sign3A_305 = arith.subi %sign3A_301, %sign3A_304 : i32
              %sign3A_306 = arith.constant 0 : i32
              %sign3A_307 = arith.cmpi sgt, %jit3A_297, %sign3A_306 : i32
              %sign3A_308 = arith.extui %sign3A_307 : i1 to i32
              %sign3A_309 = arith.constant 0 : i32
              %sign3A_310 = arith.cmpi slt, %jit3A_297, %sign3A_309 : i32
              %sign3A_311 = arith.extui %sign3A_310 : i1 to i32
              %sign3A_312 = arith.subi %sign3A_308, %sign3A_311 : i32
              %ne3A_313 = arith.cmpi ne, %sign3A_305, %sign3A_312 : i32
              %rem3A_314 = arith.remsi %get3A_296, %jit3A_297 : i32
              %ne3A_315 = arith.constant 0 : i32
              %ne3A_316 = arith.cmpi ne, %rem3A_314, %ne3A_315 : i32
              %and3A_317 = arith.andi %ne3A_313, %ne3A_316 : i1
              %sub3A_318 = arith.constant 1 : i32
              %sub3A_319 = arith.subi %div3A_298, %sub3A_318 : i32
              %select_n3A_320 = arith.select %and3A_317, %sub3A_319, %div3A_298 : i32
              %while3A_321 = arith.constant 0 : i32
              %while3A_322 = arith.constant 0 : i32
              %while3A_323 = arith.subi %select_n3A_320, %while3A_321 : i32
              %while3A_324 = arith.addi %while3A_321, %while3A_323 : i32
              %while3A_325 = arith.constant 1 : i32
              %while3A_326 = arith.divsi %while3A_323, %while3A_325 : i32
              %while3A_327 = arith.muli %while3A_326, %while3A_325 : i32
              %while3A_328 = arith.addi %while3A_321, %while3A_327 : i32
              %while3A_329 = arith.constant 1 : i32
              %while3A_330 = scf.for %while3A_336 = %while3A_321 to %while3A_328 step %while3A_329 iter_args(%while3A_337 = %while3A_322) -> (i32)  : i32 {
                %mul3A_338 = arith.constant 16 : i32
                %mul3A_339 = arith.muli %while3A_336, %mul3A_338 : i32
                %get3A_340 = arith.index_cast %mul3A_339 : i32 to index
                %get3A_341 = tpu.vector_load %arg6[%get3A_340] {strides = array<i32>} : memref<4096xf32, #tpu.memory_space<vmem>>, vector<16xf32>,
                %ge3A_342 = arith.cmpf oge, %get3A_341, %cond3A_230#2 : vector<16xf32>
                %reduce_or3A_343 = arith.constant 1.000000e+00 : f32
                %reduce_or3A_344 = arith.constant 0.000000e+00 : f32
                %reduce_or3A_345 = vector.broadcast %reduce_or3A_343 : f32 to vector<16xf32>
                %reduce_or3A_346 = vector.broadcast %reduce_or3A_344 : f32 to vector<16xf32>
                %reduce_or3A_347 = arith.select %ge3A_342, %reduce_or3A_345, %reduce_or3A_346 : vector<16xi1>, vector<16xf32>
                %reduce_or3A_348 = arith.constant true
                %reduce_or3A_349 = vector.broadcast %reduce_or3A_348 : i1 to vector<16xi1>
                %reduce_or3A_350 = tpu.scan <max>, %reduce_or3A_347 masked %reduce_or3A_349 : vector<16xf32>, vector<16xi1> -> vector<16xf32>
                %reduce_or3A_351 = vector.extract %reduce_or3A_350[15] : f32 from vector<16xf32>
                %reduce_or3A_352 = arith.constant 0.000000e+00 : f32
                %reduce_or3A_353 = arith.cmpf ogt, %reduce_or3A_351, %reduce_or3A_352 : f32
                %convert_element_type3A_354 = arith.extui %reduce_or3A_353 : i1 to i32
                %cond3A_355 = arith.constant 0 : i32
                %cond3A_356 = arith.cmpi ne, %convert_element_type3A_354, %cond3A_355 : i32
                scf.if %cond3A_356 {
                  %swap3A_361 = arith.index_cast %while3A_337 : i32 to index
                  %swap3A_362 = tpu.vector_load %arg6[%swap3A_361] {strides = array<i32>} : memref<4096xf32, #tpu.memory_space<vmem>>, vector<16xf32>,
                  tpu.vector_store %arg6[%swap3A_361], %get3A_341 {strides = array<i32>} : memref<4096xf32, #tpu.memory_space<vmem>>, vector<16xf32>,
                  %mul3A_363 = arith.constant 16 : i32
                  %mul3A_364 = arith.muli %while3A_336, %mul3A_363 : i32
                  %get3A_365 = arith.index_cast %mul3A_364 : i32 to index
                  %get3A_366 = tpu.vector_load %arg7[%get3A_365] {strides = array<i32>} : memref<4096xi32, #tpu.memory_space<vmem>>, vector<16xi32>,
                  %swap3A_367 = arith.index_cast %while3A_337 : i32 to index
                  %swap3A_368 = tpu.vector_load %arg7[%swap3A_367] {strides = array<i32>} : memref<4096xi32, #tpu.memory_space<vmem>>, vector<16xi32>,
                  tpu.vector_store %arg7[%swap3A_367], %get3A_366 {strides = array<i32>} : memref<4096xi32, #tpu.memory_space<vmem>>, vector<16xi32>,
                } else {
                }
                %jit3A_357 = arith.constant 16 : i32
                %jit3A_358 = arith.constant 0 : i32
                %select_n3A_359 = arith.select %reduce_or3A_353, %jit3A_357, %jit3A_358 : i32
                %add3A_360 = arith.addi %while3A_337, %select_n3A_359 : i32
                scf.yield %add3A_360 : i32
              }
              %while3A_331 = arith.constant 1 : i32
              %while3A_332 = scf.for %while3A_336 = %while3A_328 to %while3A_324 step %while3A_331 iter_args(%while3A_337 = %while3A_330) -> (i32)  : i32 {
                %mul3A_338 = arith.constant 16 : i32
                %mul3A_339 = arith.muli %while3A_336, %mul3A_338 : i32
                %get3A_340 = arith.index_cast %mul3A_339 : i32 to index
                %get3A_341 = tpu.vector_load %arg6[%get3A_340] {strides = array<i32>} : memref<4096xf32, #tpu.memory_space<vmem>>, vector<16xf32>,
                %ge3A_342 = arith.cmpf oge, %get3A_341, %cond3A_230#2 : vector<16xf32>
                %reduce_or3A_343 = arith.constant 1.000000e+00 : f32
                %reduce_or3A_344 = arith.constant 0.000000e+00 : f32
                %reduce_or3A_345 = vector.broadcast %reduce_or3A_343 : f32 to vector<16xf32>
                %reduce_or3A_346 = vector.broadcast %reduce_or3A_344 : f32 to vector<16xf32>
                %reduce_or3A_347 = arith.select %ge3A_342, %reduce_or3A_345, %reduce_or3A_346 : vector<16xi1>, vector<16xf32>
                %reduce_or3A_348 = arith.constant true
                %reduce_or3A_349 = vector.broadcast %reduce_or3A_348 : i1 to vector<16xi1>
                %reduce_or3A_350 = tpu.scan <max>, %reduce_or3A_347 masked %reduce_or3A_349 : vector<16xf32>, vector<16xi1> -> vector<16xf32>
                %reduce_or3A_351 = vector.extract %reduce_or3A_350[15] : f32 from vector<16xf32>
                %reduce_or3A_352 = arith.constant 0.000000e+00 : f32
                %reduce_or3A_353 = arith.cmpf ogt, %reduce_or3A_351, %reduce_or3A_352 : f32
                %convert_element_type3A_354 = arith.extui %reduce_or3A_353 : i1 to i32
                %cond3A_355 = arith.constant 0 : i32
                %cond3A_356 = arith.cmpi ne, %convert_element_type3A_354, %cond3A_355 : i32
                scf.if %cond3A_356 {
                  %swap3A_361 = arith.index_cast %while3A_337 : i32 to index
                  %swap3A_362 = tpu.vector_load %arg6[%swap3A_361] {strides = array<i32>} : memref<4096xf32, #tpu.memory_space<vmem>>, vector<16xf32>,
                  tpu.vector_store %arg6[%swap3A_361], %get3A_341 {strides = array<i32>} : memref<4096xf32, #tpu.memory_space<vmem>>, vector<16xf32>,
                  %mul3A_363 = arith.constant 16 : i32
                  %mul3A_364 = arith.muli %while3A_336, %mul3A_363 : i32
                  %get3A_365 = arith.index_cast %mul3A_364 : i32 to index
                  %get3A_366 = tpu.vector_load %arg7[%get3A_365] {strides = array<i32>} : memref<4096xi32, #tpu.memory_space<vmem>>, vector<16xi32>,
                  %swap3A_367 = arith.index_cast %while3A_337 : i32 to index
                  %swap3A_368 = tpu.vector_load %arg7[%swap3A_367] {strides = array<i32>} : memref<4096xi32, #tpu.memory_space<vmem>>, vector<16xi32>,
                  tpu.vector_store %arg7[%swap3A_367], %get3A_366 {strides = array<i32>} : memref<4096xi32, #tpu.memory_space<vmem>>, vector<16xi32>,
                } else {
                }
                %jit3A_357 = arith.constant 16 : i32
                %jit3A_358 = arith.constant 0 : i32
                %select_n3A_359 = arith.select %reduce_or3A_353, %jit3A_357, %jit3A_358 : i32
                %add3A_360 = arith.addi %while3A_337, %select_n3A_359 : i32
                scf.yield %add3A_360 : i32
              }
              %swap3A_333 = arith.constant 0 : i32
              %swap3A_334 = arith.index_cast %swap3A_333 : i32 to index
              %swap3A_335 = memref.load %arg9[%swap3A_334] : memref<1xi32, #tpu.memory_space<smem>>
              memref.store %while3A_332, %arg9[%swap3A_334] : memref<1xi32, #tpu.memory_space<smem>>
            } else {
            }
            %get3A_256 = arith.constant 0 : i32
            %get3A_257 = arith.index_cast %get3A_256 : i32 to index
            %get3A_258 = memref.load %arg9[%get3A_257] : memref<1xi32, #tpu.memory_space<smem>>
            %swap3A_259 = arith.index_cast %get3A_258 : i32 to index
            %swap3A_260 = tpu.vector_load %arg6[%swap3A_259] {strides = array<i32>} : memref<4096xf32, #tpu.memory_space<vmem>>, vector<16xf32>,
            tpu.vector_store %arg6[%swap3A_259], %get3A_159 {strides = array<i32>} : memref<4096xf32, #tpu.memory_space<vmem>>, vector<16xf32>,
            %add3A_261 = vector.broadcast %add3A_232 : i32 to vector<16xi32>
            %add3A_262 = arith.addi %iota3A, %add3A_261 : vector<16xi32>
            %swap3A_263 = arith.index_cast %get3A_258 : i32 to index
            %swap3A_264 = tpu.vector_load %arg7[%swap3A_263] {strides = array<i32>} : memref<4096xi32, #tpu.memory_space<vmem>>, vector<16xi32>,
            tpu.vector_store %arg7[%swap3A_263], %add3A_262 {strides = array<i32>} : memref<4096xi32, #tpu.memory_space<vmem>>, vector<16xi32>,
            %add3A_265 = arith.constant 16 : i32
            %add3A_266 = arith.addi %get3A_258, %add3A_265 : i32
            %swap3A_267 = arith.constant 0 : i32
            %swap3A_268 = arith.index_cast %swap3A_267 : i32 to index
            %swap3A_269 = memref.load %arg9[%swap3A_268] : memref<1xi32, #tpu.memory_space<smem>>
            memref.store %add3A_266, %arg9[%swap3A_268] : memref<1xi32, #tpu.memory_space<smem>>
            %masked_sort3A_270 = arith.constant dense<true> : vector<16xi1>
            %masked_sort3A_271, %masked_sort3A_272, %masked_sort3A_273 = tpu.sort %cond3A_230#1, %cond3A_230#1 masked %masked_sort3A_270 : (vector<16xf32>, vector<16xf32>, vector<16xi1>) -> (vector<16xi1>, vector<16xf32>, vector<16xf32>)
            %masked_sort3A_274 = arith.constant dense<true> : vector<16xi1>
            %masked_sort3A_275, %masked_sort3A_276, %masked_sort3A_277 = tpu.sort %get3A_159, %get3A_159 masked %masked_sort3A_274 {descending = true} : (vector<16xf32>, vector<16xf32>, vector<16xi1>) -> (vector<16xi1>, vector<16xf32>, vector<16xf32>)
            %max3A_278 = arith.maximumf %masked_sort3A_272, %masked_sort3A_276 : vector<16xf32>
            %masked_sort3A_279 = arith.constant dense<true> : vector<16xi1>
            %masked_sort3A_280, %masked_sort3A_281, %masked_sort3A_282 = tpu.sort %cond3A_230#0, %cond3A_230#0 masked %masked_sort3A_279 : (vector<16xf32>, vector<16xf32>, vector<16xi1>) -> (vector<16xi1>, vector<16xf32>, vector<16xf32>)
            %masked_sort3A_283 = arith.constant dense<true> : vector<16xi1>
            %masked_sort3A_284, %masked_sort3A_285, %masked_sort3A_286 = tpu.sort %max3A_278, %max3A_278 masked %masked_sort3A_283 {descending = true} : (vector<16xf32>, vector<16xf32>, vector<16xi1>) -> (vector<16xi1>, vector<16xf32>, vector<16xf32>)
            %max3A_287 = arith.maximumf %masked_sort3A_281, %masked_sort3A_285 : vector<16xf32>
            %min3A_288 = arith.minimumf %masked_sort3A_281, %masked_sort3A_285 : vector<16xf32>
            %reduce_min3A_289 = arith.constant true
            %reduce_min3A_290 = vector.broadcast %reduce_min3A_289 : i1 to vector<16xi1>
            %reduce_min3A_291 = tpu.scan <min>, %min3A_288 masked %reduce_min3A_290 : vector<16xf32>, vector<16xi1> -> vector<16xf32>
            %reduce_min3A_292 = vector.extract %reduce_min3A_291[15] : f32 from vector<16xf32>
            %broadcast_in_dim3A_293 = vector.broadcast %reduce_min3A_292 : f32 to vector<16xf32>
            scf.yield %max3A_287, %min3A_288, %broadcast_in_dim3A_293 : vector<16xf32>, vector<16xf32>, vector<16xf32>
          } else {
            scf.yield %cond3A_230#0, %cond3A_230#1, %cond3A_230#2 : vector<16xf32>, vector<16xf32>, vector<16xf32>
          }
          scf.yield %cond3A_248#0, %cond3A_248#1, %cond3A_248#2 : vector<16xf32>, vector<16xf32>, vector<16xf32>
        } else {
          scf.yield %scan3A_139, %scan3A_140, %scan3A_141 : vector<16xf32>, vector<16xf32>, vector<16xf32>
        }
        scf.yield %cond3A_178#0, %cond3A_178#1, %cond3A_178#2 : vector<16xf32>, vector<16xf32>, vector<16xf32>
      }
      %scan3A_87 = arith.constant 511 : i32
      %get3A_88 = arith.constant 0 : i32
      %get3A_89 = arith.index_cast %get3A_88 : i32 to index
      %get3A_90 = memref.load %arg9[%get3A_89] : memref<1xi32, #tpu.memory_space<smem>>
      %jit3A = arith.constant 16 : i32
      %div3A = arith.divsi %get3A_90, %jit3A : i32
      %sign3A = arith.constant 0 : i32
      %sign3A_91 = arith.cmpi sgt, %get3A_90, %sign3A : i32
      %sign3A_92 = arith.extui %sign3A_91 : i1 to i32
      %sign3A_93 = arith.constant 0 : i32
      %sign3A_94 = arith.cmpi slt, %get3A_90, %sign3A_93 : i32
      %sign3A_95 = arith.extui %sign3A_94 : i1 to i32
      %sign3A_96 = arith.subi %sign3A_92, %sign3A_95 : i32
      %sign3A_97 = arith.constant 0 : i32
      %sign3A_98 = arith.cmpi sgt, %jit3A, %sign3A_97 : i32
      %sign3A_99 = arith.extui %sign3A_98 : i1 to i32
      %sign3A_100 = arith.constant 0 : i32
      %sign3A_101 = arith.cmpi slt, %jit3A, %sign3A_100 : i32
      %sign3A_102 = arith.extui %sign3A_101 : i1 to i32
      %sign3A_103 = arith.subi %sign3A_99, %sign3A_102 : i32
      %ne3A = arith.cmpi ne, %sign3A_96, %sign3A_103 : i32
      %rem3A = arith.remsi %get3A_90, %jit3A : i32
      %ne3A_104 = arith.constant 0 : i32
      %ne3A_105 = arith.cmpi ne, %rem3A, %ne3A_104 : i32
      %and3A = arith.andi %ne3A, %ne3A_105 : i1
      %sub3A = arith.constant 1 : i32
      %sub3A_106 = arith.subi %div3A, %sub3A : i32
      %select_n3A = arith.select %and3A, %sub3A_106, %div3A : i32
      %while3A = arith.constant 0 : i32
      %while3A_107 = arith.constant 0 : i32
      %while3A_108 = arith.subi %select_n3A, %while3A : i32
      %while3A_109 = arith.addi %while3A, %while3A_108 : i32
      %while3A_110 = arith.constant 1 : i32
      %while3A_111 = arith.divsi %while3A_108, %while3A_110 : i32
      %while3A_112 = arith.muli %while3A_111, %while3A_110 : i32
      %while3A_113 = arith.addi %while3A, %while3A_112 : i32
      %while3A_114 = arith.constant 1 : i32
      %while3A_115 = scf.for %while3A_138 = %while3A to %while3A_113 step %while3A_114 iter_args(%while3A_139 = %while3A_107) -> (i32)  : i32 {
        %mul3A_140 = arith.constant 16 : i32
        %mul3A_141 = arith.muli %while3A_138, %mul3A_140 : i32
        %get3A_142 = arith.index_cast %mul3A_141 : i32 to index
        %get3A_143 = tpu.vector_load %arg6[%get3A_142] {strides = array<i32>} : memref<4096xf32, #tpu.memory_space<vmem>>, vector<16xf32>,
        %gt3A_144 = arith.cmpf ogt, %get3A_143, %scan3A_86#2 : vector<16xf32>
        %convert_element_type3A_145 = arith.extui %gt3A_144 : vector<16xi1> to vector<16xi32>
        %reduce_sum3A = arith.constant true
        %reduce_sum3A_146 = vector.broadcast %reduce_sum3A : i1 to vector<16xi1>
        %reduce_sum3A_147 = tpu.scan <sum>, %convert_element_type3A_145 masked %reduce_sum3A_146 : vector<16xi32>, vector<16xi1> -> vector<16xi32>
        %reduce_sum3A_148 = vector.extract %reduce_sum3A_147[15] : i32 from vector<16xi32>
        %add3A_149 = arith.addi %while3A_139, %reduce_sum3A_148 : i32
        scf.yield %add3A_149 : i32
      }
      %while3A_116 = arith.constant 1 : i32
      %while3A_117 = scf.for %while3A_138 = %while3A_113 to %while3A_109 step %while3A_116 iter_args(%while3A_139 = %while3A_115) -> (i32)  : i32 {
        %mul3A_140 = arith.constant 16 : i32
        %mul3A_141 = arith.muli %while3A_138, %mul3A_140 : i32
        %get3A_142 = arith.index_cast %mul3A_141 : i32 to index
        %get3A_143 = tpu.vector_load %arg6[%get3A_142] {strides = array<i32>} : memref<4096xf32, #tpu.memory_space<vmem>>, vector<16xf32>,
        %gt3A_144 = arith.cmpf ogt, %get3A_143, %scan3A_86#2 : vector<16xf32>
        %convert_element_type3A_145 = arith.extui %gt3A_144 : vector<16xi1> to vector<16xi32>
        %reduce_sum3A = arith.constant true
        %reduce_sum3A_146 = vector.broadcast %reduce_sum3A : i1 to vector<16xi1>
        %reduce_sum3A_147 = tpu.scan <sum>, %convert_element_type3A_145 masked %reduce_sum3A_146 : vector<16xi32>, vector<16xi1> -> vector<16xi32>
        %reduce_sum3A_148 = vector.extract %reduce_sum3A_147[15] : i32 from vector<16xi32>
        %add3A_149 = arith.addi %while3A_139, %reduce_sum3A_148 : i32
        scf.yield %add3A_149 : i32
      }
      %sub3A_118 = arith.constant 32 : i32
      %sub3A_119 = arith.subi %sub3A_118, %while3A_117 : i32
      %while3A_120 = arith.constant 0 : i32
      %while3A_121 = arith.constant 0 : i32
      %while3A_122 = arith.constant 0 : i32
      %while3A_123 = arith.subi %select_n3A, %while3A_120 : i32
      %while3A_124 = arith.addi %while3A_120, %while3A_123 : i32
      %while3A_125 = arith.constant 1 : i32
      %while3A_126 = arith.divsi %while3A_123, %while3A_125 : i32
      %while3A_127 = arith.muli %while3A_126, %while3A_125 : i32
      %while3A_128 = arith.addi %while3A_120, %while3A_127 : i32
      %while3A_129 = arith.constant 1 : i32
      %while3A_130:2 = scf.for %while3A_138 = %while3A_120 to %while3A_128 step %while3A_129 iter_args(%while3A_139 = %while3A_121, %while3A_140 = %while3A_122) -> (i32, i32)  : i32 {
        %mul3A_141 = arith.constant 16 : i32
        %mul3A_142 = arith.muli %while3A_138, %mul3A_141 : i32
        %get3A_143 = arith.index_cast %mul3A_142 : i32 to index
        %get3A_144 = tpu.vector_load %arg6[%get3A_143] {strides = array<i32>} : memref<4096xf32, #tpu.memory_space<vmem>>, vector<16xf32>,
        %mul3A_145 = arith.constant 16 : i32
        %mul3A_146 = arith.muli %while3A_138, %mul3A_145 : i32
        %get3A_147 = arith.index_cast %mul3A_146 : i32 to index
        %get3A_148 = tpu.vector_load %arg7[%get3A_147] {strides = array<i32>} : memref<4096xi32, #tpu.memory_space<vmem>>, vector<16xi32>,
        %gt3A_149 = arith.cmpf ogt, %get3A_144, %scan3A_86#2 : vector<16xf32>
        %eq3A = arith.cmpf oeq, %get3A_144, %scan3A_86#2 : vector<16xf32>
        %convert_element_type3A_150 = arith.extui %gt3A_149 : vector<16xi1> to vector<16xi32>
        %broadcast_in_dim3A_151 = arith.constant true
        %broadcast_in_dim3A_152 = vector.broadcast %broadcast_in_dim3A_151 : i1 to vector<16xi1>
        %masked_cumsum3A = tpu.scan <sum>, %convert_element_type3A_150 masked %broadcast_in_dim3A_152 : vector<16xi32>, vector<16xi1> -> vector<16xi32>
        %convert_element_type3A_153 = arith.extui %eq3A : vector<16xi1> to vector<16xi32>
        %broadcast_in_dim3A_154 = arith.constant true
        %broadcast_in_dim3A_155 = vector.broadcast %broadcast_in_dim3A_154 : i1 to vector<16xi1>
        %masked_cumsum3A_156 = tpu.scan <sum>, %convert_element_type3A_153 masked %broadcast_in_dim3A_155 : vector<16xi32>, vector<16xi1> -> vector<16xi32>
        %add3A_157 = vector.broadcast %while3A_140 : i32 to vector<16xi32>
        %add3A_158 = arith.addi %add3A_157, %masked_cumsum3A_156 : vector<16xi32>
        %le3A = vector.broadcast %sub3A_119 : i32 to vector<16xi32>
        %le3A_159 = arith.cmpi sle, %add3A_158, %le3A : vector<16xi32>
        %and3A_160 = arith.andi %eq3A, %le3A_159 : vector<16xi1>
        %or3A = arith.ori %gt3A_149, %and3A_160 : vector<16xi1>
        %max3A_161 = arith.constant 0.000000e+00 : f32
        %max3A_162 = vector.broadcast %max3A_161 : f32 to vector<16xf32>
        %max3A_163 = arith.maximumf %get3A_144, %max3A_162 : vector<16xf32>
        tpu.vector_store_idx %arg5[%get3A_148], %max3A_163 masked %or3A : memref<32768xf32, #tpu.memory_space<vmem>>[vector<16xi32>], vector<16xf32>, vector<16xi1>
        %add3A_164 = vector.broadcast %while3A_139 : i32 to vector<16xi32>
        %add3A_165 = arith.addi %add3A_164, %masked_cumsum3A : vector<16xi32>
        %sub3A_166 = arith.constant 1 : i32
        %sub3A_167 = vector.broadcast %sub3A_166 : i32 to vector<16xi32>
        %sub3A_168 = arith.subi %add3A_165, %sub3A_167 : vector<16xi32>
        %add3A_169 = vector.broadcast %while3A_140 : i32 to vector<16xi32>
        %add3A_170 = arith.addi %add3A_169, %masked_cumsum3A_156 : vector<16xi32>
        %sub3A_171 = arith.constant 32 : i32
        %sub3A_172 = vector.broadcast %sub3A_171 : i32 to vector<16xi32>
        %sub3A_173 = arith.subi %sub3A_172, %add3A_170 : vector<16xi32>
        %select_n3A_174 = arith.select %gt3A_149, %sub3A_168, %sub3A_173 : vector<16xi1>, vector<16xi32>
        %max3A_175 = arith.constant 0 : i32
        %max3A_176 = vector.broadcast %max3A_175 : i32 to vector<16xi32>
        %max3A_177 = arith.maxsi %select_n3A_174, %max3A_176 : vector<16xi32>
        %min3A_178 = arith.constant 31 : i32
        %min3A_179 = vector.broadcast %min3A_178 : i32 to vector<16xi32>
        %min3A_180 = arith.minsi %max3A_177, %min3A_179 : vector<16xi32>
        tpu.vector_store_idx %arg8[%min3A_180], %get3A_148 masked %or3A : memref<32xi32, #tpu.memory_space<vmem>>[vector<16xi32>], vector<16xi32>, vector<16xi1>
        %convert_element_type3A_181 = arith.extui %gt3A_149 : vector<16xi1> to vector<16xi32>
        %reduce_sum3A = arith.constant true
        %reduce_sum3A_182 = vector.broadcast %reduce_sum3A : i1 to vector<16xi1>
        %reduce_sum3A_183 = tpu.scan <sum>, %convert_element_type3A_181 masked %reduce_sum3A_182 : vector<16xi32>, vector<16xi1> -> vector<16xi32>
        %reduce_sum3A_184 = vector.extract %reduce_sum3A_183[15] : i32 from vector<16xi32>
        %add3A_185 = arith.addi %while3A_139, %reduce_sum3A_184 : i32
        %convert_element_type3A_186 = arith.extui %eq3A : vector<16xi1> to vector<16xi32>
        %reduce_sum3A_187 = arith.constant true
        %reduce_sum3A_188 = vector.broadcast %reduce_sum3A_187 : i1 to vector<16xi1>
        %reduce_sum3A_189 = tpu.scan <sum>, %convert_element_type3A_186 masked %reduce_sum3A_188 : vector<16xi32>, vector<16xi1> -> vector<16xi32>
        %reduce_sum3A_190 = vector.extract %reduce_sum3A_189[15] : i32 from vector<16xi32>
        %add3A_191 = arith.addi %while3A_140, %reduce_sum3A_190 : i32
        scf.yield %add3A_185, %add3A_191 : i32, i32
      }
      %while3A_131 = arith.constant 1 : i32
      %while3A_132:2 = scf.for %while3A_138 = %while3A_128 to %while3A_124 step %while3A_131 iter_args(%while3A_139 = %while3A_130#0, %while3A_140 = %while3A_130#1) -> (i32, i32)  : i32 {
        %mul3A_141 = arith.constant 16 : i32
        %mul3A_142 = arith.muli %while3A_138, %mul3A_141 : i32
        %get3A_143 = arith.index_cast %mul3A_142 : i32 to index
        %get3A_144 = tpu.vector_load %arg6[%get3A_143] {strides = array<i32>} : memref<4096xf32, #tpu.memory_space<vmem>>, vector<16xf32>,
        %mul3A_145 = arith.constant 16 : i32
        %mul3A_146 = arith.muli %while3A_138, %mul3A_145 : i32
        %get3A_147 = arith.index_cast %mul3A_146 : i32 to index
        %get3A_148 = tpu.vector_load %arg7[%get3A_147] {strides = array<i32>} : memref<4096xi32, #tpu.memory_space<vmem>>, vector<16xi32>,
        %gt3A_149 = arith.cmpf ogt, %get3A_144, %scan3A_86#2 : vector<16xf32>
        %eq3A = arith.cmpf oeq, %get3A_144, %scan3A_86#2 : vector<16xf32>
        %convert_element_type3A_150 = arith.extui %gt3A_149 : vector<16xi1> to vector<16xi32>
        %broadcast_in_dim3A_151 = arith.constant true
        %broadcast_in_dim3A_152 = vector.broadcast %broadcast_in_dim3A_151 : i1 to vector<16xi1>
        %masked_cumsum3A = tpu.scan <sum>, %convert_element_type3A_150 masked %broadcast_in_dim3A_152 : vector<16xi32>, vector<16xi1> -> vector<16xi32>
        %convert_element_type3A_153 = arith.extui %eq3A : vector<16xi1> to vector<16xi32>
        %broadcast_in_dim3A_154 = arith.constant true
        %broadcast_in_dim3A_155 = vector.broadcast %broadcast_in_dim3A_154 : i1 to vector<16xi1>
        %masked_cumsum3A_156 = tpu.scan <sum>, %convert_element_type3A_153 masked %broadcast_in_dim3A_155 : vector<16xi32>, vector<16xi1> -> vector<16xi32>
        %add3A_157 = vector.broadcast %while3A_140 : i32 to vector<16xi32>
        %add3A_158 = arith.addi %add3A_157, %masked_cumsum3A_156 : vector<16xi32>
        %le3A = vector.broadcast %sub3A_119 : i32 to vector<16xi32>
        %le3A_159 = arith.cmpi sle, %add3A_158, %le3A : vector<16xi32>
        %and3A_160 = arith.andi %eq3A, %le3A_159 : vector<16xi1>
        %or3A = arith.ori %gt3A_149, %and3A_160 : vector<16xi1>
        %max3A_161 = arith.constant 0.000000e+00 : f32
        %max3A_162 = vector.broadcast %max3A_161 : f32 to vector<16xf32>
        %max3A_163 = arith.maximumf %get3A_144, %max3A_162 : vector<16xf32>
        tpu.vector_store_idx %arg5[%get3A_148], %max3A_163 masked %or3A : memref<32768xf32, #tpu.memory_space<vmem>>[vector<16xi32>], vector<16xf32>, vector<16xi1>
        %add3A_164 = vector.broadcast %while3A_139 : i32 to vector<16xi32>
        %add3A_165 = arith.addi %add3A_164, %masked_cumsum3A : vector<16xi32>
        %sub3A_166 = arith.constant 1 : i32
        %sub3A_167 = vector.broadcast %sub3A_166 : i32 to vector<16xi32>
        %sub3A_168 = arith.subi %add3A_165, %sub3A_167 : vector<16xi32>
        %add3A_169 = vector.broadcast %while3A_140 : i32 to vector<16xi32>
        %add3A_170 = arith.addi %add3A_169, %masked_cumsum3A_156 : vector<16xi32>
        %sub3A_171 = arith.constant 32 : i32
        %sub3A_172 = vector.broadcast %sub3A_171 : i32 to vector<16xi32>
        %sub3A_173 = arith.subi %sub3A_172, %add3A_170 : vector<16xi32>
        %select_n3A_174 = arith.select %gt3A_149, %sub3A_168, %sub3A_173 : vector<16xi1>, vector<16xi32>
        %max3A_175 = arith.constant 0 : i32
        %max3A_176 = vector.broadcast %max3A_175 : i32 to vector<16xi32>
        %max3A_177 = arith.maxsi %select_n3A_174, %max3A_176 : vector<16xi32>
        %min3A_178 = arith.constant 31 : i32
        %min3A_179 = vector.broadcast %min3A_178 : i32 to vector<16xi32>
        %min3A_180 = arith.minsi %max3A_177, %min3A_179 : vector<16xi32>
        tpu.vector_store_idx %arg8[%min3A_180], %get3A_148 masked %or3A : memref<32xi32, #tpu.memory_space<vmem>>[vector<16xi32>], vector<16xi32>, vector<16xi1>
        %convert_element_type3A_181 = arith.extui %gt3A_149 : vector<16xi1> to vector<16xi32>
        %reduce_sum3A = arith.constant true
        %reduce_sum3A_182 = vector.broadcast %reduce_sum3A : i1 to vector<16xi1>
        %reduce_sum3A_183 = tpu.scan <sum>, %convert_element_type3A_181 masked %reduce_sum3A_182 : vector<16xi32>, vector<16xi1> -> vector<16xi32>
        %reduce_sum3A_184 = vector.extract %reduce_sum3A_183[15] : i32 from vector<16xi32>
        %add3A_185 = arith.addi %while3A_139, %reduce_sum3A_184 : i32
        %convert_element_type3A_186 = arith.extui %eq3A : vector<16xi1> to vector<16xi32>
        %reduce_sum3A_187 = arith.constant true
        %reduce_sum3A_188 = vector.broadcast %reduce_sum3A_187 : i1 to vector<16xi1>
        %reduce_sum3A_189 = tpu.scan <sum>, %convert_element_type3A_186 masked %reduce_sum3A_188 : vector<16xi32>, vector<16xi1> -> vector<16xi32>
        %reduce_sum3A_190 = vector.extract %reduce_sum3A_189[15] : i32 from vector<16xi32>
        %add3A_191 = arith.addi %while3A_140, %reduce_sum3A_190 : i32
        scf.yield %add3A_185, %add3A_191 : i32, i32
      }
      "tpu.region"() ({
        %run_scoped3A = tpu.sem_alloc : memref<!tpu.dma_semaphore, #tpu.memory_space<semaphore_mem>>
        %dma_start3A = tpu.memref_slice %arg3[%mul3A_21] : memref<4194304xf32, #tpu.memory_space<hbm>> -> memref<32768xf32, #tpu.memory_space<hbm>>
        %dma_start3A_138 = tpu.memref_slice %arg3[%mul3A_21] : memref<4194304xf32, #tpu.memory_space<hbm>> -> memref<32768xf32, #tpu.memory_space<hbm>>
        tpu.enqueue_dma source(%arg5 : memref<32768xf32, #tpu.memory_space<vmem>>) target(%dma_start3A_138 : memref<32768xf32, #tpu.memory_space<hbm>>) target_semaphore(%run_scoped3A : memref<!tpu.dma_semaphore, #tpu.memory_space<semaphore_mem>>)
        %dma_wait3A = tpu.memref_slice %arg3[%mul3A_21] : memref<4194304xf32, #tpu.memory_space<hbm>> -> memref<32768xf32, #tpu.memory_space<hbm>>
        %dma_wait3A_139 = tpu.memref_slice %arg3[%mul3A_21] : memref<4194304xf32, #tpu.memory_space<hbm>> -> memref<32768xf32, #tpu.memory_space<hbm>>
        tpu.wait_dma2 semaphore(%run_scoped3A : memref<!tpu.dma_semaphore, #tpu.memory_space<semaphore_mem>>) src(%arg5 : memref<32768xf32, #tpu.memory_space<vmem>>) dst(%dma_wait3A_139 : memref<32768xf32, #tpu.memory_space<hbm>>)
        tpu.yield
      }) : () -> ()
      %get3A_133 = arith.constant 0 : index
      %get3A_134 = tpu.vector_load %arg8[%get3A_133] {strides = array<i32>} : memref<32xi32, #tpu.memory_space<vmem>>, vector<16xi32>,
      %get3A_135 = arith.constant 16 : index
      %get3A_136 = tpu.vector_load %arg8[%get3A_135] {strides = array<i32>} : memref<32xi32, #tpu.memory_space<vmem>>, vector<16xi32>,
      tpu.vector_store_idx %arg5[%get3A_134], %broadcast_in_dim3A_1 : memref<32768xf32, #tpu.memory_space<vmem>>[vector<16xi32>], vector<16xf32>,
      tpu.vector_store_idx %arg5[%get3A_136], %broadcast_in_dim3A_1 : memref<32768xf32, #tpu.memory_space<vmem>>[vector<16xi32>], vector<16xf32>,
      %scan3A_137 = arith.constant 0 : i32
      scf.yield %scan3A_137 : i32
    }
    %scan3A_14 = arith.constant 4 : i32
    return
  }
}

</mosaic_0001>

<sc_bundles>
// kernel: kernel.3.cloned.1.call-start
scs
__scs_entry_jumppad:
0x0: {  	(pc) =	sbr.rel $0x88, $3  }
0x1: {  	(tag) =	ssettag $0x0;
	lr =	simm.s32 $0x1  }
0x2: {  	[smem:$0x3FA0] =	sst lr;
	_ =	strace $0xD0000000  }
0x3: {  	_ = 	snop  }
0x4: {  	_ = 	snop  }
0x5: {  	_ = 	snop  }
0x6: {  	_ = 	snop  }
0x7: {  	_ = 	snop  }
__scs_overlays_trampoline_lowered:
0x8: {  	[smem:$0x3FAF] =	sst s0  }
0x9: {  	[smem:$0x3FB0] =	sst s1  }
0xa: {  	[smem:$0x3FB1] =	sst s2  }
0xb: {  	[smem:$0x3FB2] =	sst s3  }
0xc: {  	[smem:$0x3FB3] =	sst s4  }
0xd: {  	[smem:$0x3FB4] =	sst s5  }
0xe: {  	[smem:$0x3FB5] =	sst s6  }
0xf: {  	[smem:$0x3FB6] =	sst s7  }
0x10: {  	[smem:$0x3FB7] =	sst s8  }
0x11: {  	[smem:$0x3FB8] =	sst s9;
	s0 =	simm.s32 @!p0 $0x0  }
0x12: {  	s1 =	sld [smem:$0x3F9E];
	s0 =	simm.s32 @p0 $0x1  }
0x13: {  	[smem:$0x3FB9] =	sst s0;
	s0 =	simm.s32 @!p1 $0x0  }
0x14: {  	s2 =	sld [smem:$0x3F9D];
	s0 =	simm.s32 @p1 $0x1  }
0x15: {  	[smem:$0x3FBA] =	sst s0;
	s0 =	simm.s32 @!p2 $0x0  }
0x16: {  	s3 =	sld [smem:$0x3FDB];
	s0 =	simm.s32 @p2 $0x1  }
0x17: {  	s4 =	simm.s32 $0x1BF5;
	[smem:$0x3FBC] =	sst s0  }
0x18: {  	s0 =	sld [smem:$0x3F9F];
	_ =	swait.ge [sflag:s4], $0x0  }
0x19: {  	s7 =	sld [smem:$0x3FA0]  }
0x1a: {  	s8 =	sadd.s32 $0xFFFFE003, lr  }
0x1b: {  	s9 =	sadd.s32 $0xFFFFFEF7, lr;
	s5 =	simm.s32 $0xFFFFFFFF;
	p2 =	slt.u32 s8, $0xFFFFF086  }
0x1c: {  	p1 =	slt.u32 s9, $0xF7A;
	s5 =	simm.s32 @!p2 $0x0  }
0x1d: {  	s5 =	simm.s32 @p1 $0x1;
	p0 =	seq.s32 s7, s2  }
0x1e: {  	s7 =	smul.u32 @!p0 $0xF7A, s2;
	p2 =	seq.s32 @!p0 s5, $0x0  }
0x1f: {  	s9 =	smul.u32 $0xF7A, s1;
	s8 =	simm.s32 @!p0 $0x1BF5;
	p2 =	por !p2, p0  }
0x20: {  	[sflag:s8] =	ssyncset.s32 @!p0 $0xFFFFF086;
	s6 =	sadd.s32 @!p0 s3, s7;
	s7 =	simm.s32 @!p0 $0x108  }
0x21: {  	s3 =	sadd.s32 s3, s9;
	s6 =	sadd.s32 @!p0 $0x88, s6;
	s7 =	simm.s32 @p2 $0x1082  }
0x22: {  	[simem:s7], [sflag:s8] =	dma.local @!p0 [hbm:s6], $0xF7A  }
0x23: {  	s9 =	sor.u32 $0xD0000000, s2;
	s6 =	simm.s32 $0x108;
	_ =	swait.ge @!p0 [sflag:s8], $0x0  }
0x24: {  	s3 =	sadd.s32 $0x88, s3;
	s6 =	simm.s32 @!p1 $0x1082;
	[sflag:s4] =	ssyncset.s32 $0xFFFFF086  }
0x25: {  	[simem:s6], [sflag:s4] =	dma.local [hbm:s3], $0xF7A  }
0x26: {  	[smem:$0x3FA0] =	sst s1;
	(tag) =	ssettag s2;
	_ =	strace s9  }
0x27: {  	s1 =	sld [smem:$0x3FB0]  }
0x28: {  	s2 =	sld [smem:$0x3FB1]  }
0x29: {  	s4 =	sld [smem:$0x3FB3]  }
0x2a: {  	p0 =	seq.s32 s5, $0x0;
	s5 =	sld [smem:$0x3FB4]  }
0x2b: {  	s6 =	sld [smem:$0x3FB5]  }
0x2c: {  	s7 =	sld [smem:$0x3FB6]  }
0x2d: {  	s3 =	simm.s32 $0x108;
	s8 =	sld [smem:$0x3FB7]  }
0x2e: {  	s3 =	simm.s32 @!p0 $0x1082;
	s9 =	sld [smem:$0x3FB8]  }
0x2f: {  	lr =	sadd.s32 s0, s3;
	s0 =	sld [smem:$0x3FAF]  }
0x30: {  	s3 =	sld [smem:$0x3FB2]  }
0x31: {  	[smem:$0x3FBB] =	sst s10  }
0x32: {  	s10 =	sld [smem:$0x3FB9];
	_ =	sdelay $0x3  }
0x33: {  	p0 =	seq.s32 s10, $0x1;
	s10 =	sld [smem:$0x3FBB];
	_ =	sdelay $0x3  }
0x34: {  	[smem:$0x3FBB] =	sst s10  }
0x35: {  	s10 =	sld [smem:$0x3FBA];
	_ =	sdelay $0x3  }
0x36: {  	p1 =	seq.s32 s10, $0x1;
	s10 =	sld [smem:$0x3FBB];
	_ =	sdelay $0x3  }
0x37: {  	[smem:$0x3FBB] =	sst s10  }
0x38: {  	s10 =	sld [smem:$0x3FBC]  }
0x39: {  	_ = 	snop;
	(pc) =	sbr.ind lr, $3  }
0x3a: {  	_ = 	snop  }
0x3b: {  	_ = 	snop  }
0x3c: {  	p2 =	seq.s32 s10, $0x1;
	s10 =	sld [smem:$0x3FBB]  }
0x3d: {  	_ =	shalt  }
0x3e: {  	_ =	shalt  }
0x3f: {  	_ =	shalt  }
0x40: {  	_ =	shalt  }
0x41: {  	_ =	shalt  }
0x42: {  	_ =	shalt  }
0x43: {  	_ =	shalt  }
0x44: {  	_ =	shalt  }
0x45: {  	_ =	shalt  }
0x46: {  	_ =	shalt  }
0x47: {  	_ =	shalt  }
0x48: {  	_ =	shalt  }
0x49: {  	_ =	shalt  }
0x4a: {  	_ =	shalt  }
0x4b: {  	_ =	shalt  }
0x4c: {  	_ =	shalt  }
0x4d: {  	_ =	shalt  }
0x4e: {  	_ =	shalt  }
0x4f: {  	_ =	shalt  }
0x50: {  	_ =	shalt  }
0x51: {  	_ =	shalt  }
0x52: {  	_ =	shalt  }
0x53: {  	_ =	shalt  }
0x54: {  	_ =	shalt  }
0x55: {  	_ =	shalt  }
0x56: {  	_ =	shalt  }
0x57: {  	_ =	shalt  }
0x58: {  	_ =	shalt  }
0x59: {  	_ =	shalt  }
0x5a: {  	_ =	shalt  }
0x5b: {  	_ =	shalt  }
0x5c: {  	_ =	shalt  }
0x5d: {  	_ =	shalt  }
0x5e: {  	_ =	shalt  }
0x5f: {  	_ =	shalt  }
0x60: {  	_ =	shalt  }
0x61: {  	_ =	shalt  }
0x62: {  	_ =	shalt  }
0x63: {  	_ =	shalt  }
0x64: {  	_ =	shalt  }
0x65: {  	_ =	shalt  }
0x66: {  	_ =	shalt  }
0x67: {  	_ =	shalt  }
0x68: {  	_ =	shalt  }
0x69: {  	_ =	shalt  }
0x6a: {  	_ =	shalt  }
0x6b: {  	_ =	shalt  }
0x6c: {  	_ =	shalt  }
0x6d: {  	_ =	shalt  }
0x6e: {  	_ =	shalt  }
0x6f: {  	_ =	shalt  }
0x70: {  	_ =	shalt  }
0x71: {  	_ =	shalt  }
0x72: {  	_ =	shalt  }
0x73: {  	_ =	shalt  }
0x74: {  	_ =	shalt  }
0x75: {  	_ =	shalt  }
0x76: {  	_ =	shalt  }
0x77: {  	_ =	shalt  }
0x78: {  	_ =	shalt  }
0x79: {  	_ =	shalt  }
0x7a: {  	_ =	shalt  }
0x7b: {  	_ =	shalt  }
0x7c: {  	_ =	shalt  }
0x7d: {  	_ =	shalt  }
0x7e: {  	_ =	shalt  }
0x7f: {  	_ =	shalt  }
0x80: {  	_ =	shalt  }
0x81: {  	_ =	shalt  }
0x82: {  	_ =	shalt  }
0x83: {  	_ =	shalt  }
0x84: {  	_ =	shalt  }
0x85: {  	_ =	shalt  }
0x86: {  	_ =	shalt  }
0x87: {  	_ =	shalt  }
.Lfunc_end0:
.L_simem_size_0:
called_computation_lowered:
.L_overlay_start_0:
0x88: {  	s2 =	sld [smem:$0x3FD9]  }
0x89: {  	s3 =	sld [smem:$0x3FFE];
	_ =	sdelay $0x1  }
0x8a: {  	s1 =	srdreg.scid  }
0x8b: {  	s0 =	sand.u32 $0x1, s1  }
0x8c: {  	s17 =	sshll.u32 s0, $0xA;
	s2 =	sadd.s32 s3, s2  }
0x8d: {  	s2 =	sadd.s32 s2, s17  }
0x8e: {  	[smem:$0x3FC7] =	sst s2  }
0x8f: {  	_ = 	snop  }
0x90: {  	s2 =	sld [smem:$0x3FD0];
	(tm) =	ssettm $0x1  }
0x91: {  	s18 =	sld [smem:$0x3FFB];
	_ =	sdelay $0x3  }
0x92: {  	_ =	strace s18  }
0x93: {  	s3 =	sld [smem:$0x3FFC];
	_ =	sdelay $0x3  }
0x94: {  	_ =	strace s3  }
0x95: {  	s3 =	sld [smem:$0x3FFD];
	_ =	sdelay $0x3  }
0x96: {  	_ =	strace s3  }
0x97: {  	_ =	strace $0x8FFFFFFF  }
0x98: {  	s19 =	sld [smem:$0x3FDB];
	_ =	sdelay $0x1  }
0x99: {  	s4 =	simm.s32 $_scs_section_size  }
0x9a: {  	s5 =	simm.s32 $_size__tile_overlayer_lowered;
	s6 =	simm.s32 $_tile_overlayer_lowered  }
0x9b: {  	s22 =	simm.s32 $0x1BFF;
	s21 =	sshll.u32 s6, $0x1;
	s3 =	sadd.s32 s4, s19  }
0x9c: {  	s7 =	simm.s32 $0x0;
	s20 =	sshll.u32 s5, $0x1;
	s5 =	sadd.s32 s21, s3  }
0x9d: {  	[timem:s7], [sflag:s22] =	dma.local [hbm:s5], s20  }
0x9e: {  	_ =	swait.ge [sflag:s22], s20  }
0x9f: {  	s4 =	ssub.s32 $0x0, s20;
	[sflag:s22] =	ssyncset.done $0x0  }
0xa0: {  	[sflag:s22] =	ssyncadd.s32 s4;
	_ =	sdelay $0x1  }
0xa1: {  	s23 =	simm.s32 $0x1B8B  }
0xa2: {  	_ =	swait.ge [sflag:s23], $0x1  }
0xa3: {  	[sflag:s23] =	ssyncset.done $0x0  }
0xa4: {  	s25 =	simm.s32 $0x1B8E;
	s24 =	sld [smem:$0x3FFE];
	[sflag:s23] =	ssyncadd.s32 $0xFFFFFFFF  }
0xa5: {  	s26 =	simm.s32 $execute0_lowered;
	[smem:$0x3FD2] =	sst s25  }
0xa6: {  	s5 =	sshll.u32 s26, $0x1;
	_ =	strace $0x80000046;
	[dreg:$0x1] =	wrdreg $0xFFFFFFFF  }
0xa7: {  	s28 =	simm.s32 $_size_execute0_lowered;
	s3 =	sadd.s32 s3, s5;
	[dreg:$0x0] =	wrdreg $0x0  }
0xa8: {  	s5 =	sshll.u32 s28, $0x1;
	[dreg:$0x2] =	wrdreg s3  }
0xa9: {  	[dreg:$0x3] =	wrdreg s5  }
0xaa: {  	[dreg:$0x4] =	wrdreg $0xC0  }
0xab: {  	_ =	task [dreg:s7], $0x5FFFF  }
0xac: {  	[dreg:$0x1] =	wrdreg $0xFFFFFFFF  }
0xad: {  	[dreg:$0x0] =	wrdreg $0x60  }
0xae: {  	[dreg:$0x2] =	wrdreg s2  }
0xaf: {  	[dreg:$0x3] =	wrdreg s24  }
0xb0: {  	[dreg:$0x4] =	wrdreg $0x9  }
0xb1: {  	_ =	task.clear_ibuf [dreg:s7], $0x5FFFF;
	_ =	strace $0x90000046  }
0xb2: {  	s29 =	simm.s32 $0x9;
	_ =	strace $0x80000048  }
0xb3: {  	_ =	swait.ge [sflag:s29], $0x1  }
0xb4: {  	[sflag:s29] =	ssyncadd.s32 $0xFFFFFFFF  }
0xb5: {  	_ =	strace $0x90000048  }
0xb6: {  	_ =	sfence  }
0xb7: {  	s30 =	sld [smem:$0x0];
	_ =	sdelay $0x2  }
0xb8: {  	s31 =	sshll.u32 s1, $0xD;
	s1 =	sshrl.u32 s1, $0x2  }
0xb9: {  	s3 =	sand.u32 $0x4000, s31;
	s1 =	sadd.s32 s1, s30  }
0xba: {  	s0 =	sor.u32 s3, s0;
	s1 =	sshll.u32 s1, $0x11  }
0xbb: {  	s0 =	sor.u32 s1, s0  }
0xbc: {  	s0 =	sadd.s32 $0x8F2B, s0  }
0xbd: {  	[sflag:s0] =	ssyncadd.remote.s32 $0x1  }
0xbe: {  	_ =	sfence.sel $0xFFFF  }
0xbf: {  	[dreg:$0x0] =	wrdreg $0xFFFFFFFF;
	(pc) =	sbr.abs _section_cstart, $3  }
0xc0: {  	[dreg:$0x1] =	wrdreg $0xFFFFFFFF  }
0xc1: {  	_ =	task.clear_ibuf [dreg:s7], $0x2FFFF;
	_ =	strace $0x9FFFFFFF  }
0xc2: {  	(tm) =	ssettm $0x7FFFFFFF  }
0xc3: {  	_ =	shalt  }
tec
execute0_lowered:
.L_overlay_start_1:
0x0: {  	(tag) =	ssettag $0x1  }
0x1: {  	s1 =	rddreg [dreg:$0x0]  }
0x2: {  	s4 =	rddreg [dreg:$0x1]  }
0x3: {  	s0 =	rddreg [dreg:$0x2];
	s2 =	simm.s32 $0x0;
	s3 =	srdreg.scid  }
0x4: {  	s9 =	simm.s32 $0x8000;
	s10 =	simm.s32 $0x12000;
	s11 =	simm.s32 $0x0  }
.Ltmp0:
0x5: {  	[smem:$0x7FF] =	sst s2;
	s5 =	sand.u32 $0x1, s3;
	(pc) =	sbr.rel .LBB2_1-.Ltmp0, $4  }
0x6: {  	s3 =	stileid.u32;
	s4 =	sadd.s32 $0x400, s4;
	s6 =	ssub.s32 $0x2, s5  }
0x7: {  	s5 =	sshll.u32 s5, $0x6;
	s8 =	sshll.u32 s3, $0x2;
	s7 =	sshrl.u32 s6, $0x1  }
0x8: {  	v0 =	vlaneseq.u32;
	_ =	strace $0x80000047;
	s5 =	sor.u32 s8, s5;
	s6 =	ssub.s32 s6, s7  }
0x9: {  	v1 =	vimm.f32 $0.0e+00;
	v3 =	vimm.s32 $0x0;
	v2 =	vor.u32 $0x10, v0;
	s8 =	simm.s32 $0x20;
	s7 =	simm.s32 $0x1;
	s6 =	smax.u32 s6, $0x1  }
.LBB2_46:
0xa: {  	s11 =	sadd.s32 $0x1, s11  }
0xb: {  	p0 =	sne.s32 s11, s6  }
.Ltmp1:
0xc: {  	_ = 	snop;
	(pc) =	sbr.rel @!p0 .LBB2_47-.Ltmp1, $1  }
0xd: {  	_ =	sdelay $0x3  }
.LBB2_1:
0xe: {  	s12 =	simm.s32 $0x0  }
.LBB2_2:
0xf: {  	p0 =	sne.s32 s12, $0x1FFC0  }
.Ltmp2:
0x10: {  	_ = 	snop;
	(pc) =	sbr.rel @p0 .LBB2_2-.Ltmp2, $3  }
0x11: {  	_ =	sdelay $0x1  }
0x12: {  	s13 =	sshra.s32 s12, $0x2  }
0x13: {  	s12 =	sadd.s32 $0x40, s12;
	[tilespmem:s13+$0x8000] =	vst v1  }
.Ltmp3:
0x14: {  	(pc) =	sbr.rel .LBB2_4-.Ltmp3, $2  }
0x15: {  	_ =	sdelay $0x2  }
0x16: {  	s12 =	simm.s32 $0x0  }
.LBB2_42:
0x17: {  	s20 =	simm.s32 $0x10000  }
0x18: {  	s18 =	simm.s32 $0x0;
	s21 =	simm.s32 $0x0;
	s19 =	simm.s32 $0x11000  }
.LBB2_44:
0x19: {  	_ =	sdelay $0x3  }
0x1a: {  	v6 =	vmax.f32 @p0 v6, $0.0e+00  }
0x1b: {  	s16 =	sadd.s32 @p0 $0x10, s20;
	[tilespmem:v7+s9+$0x0] =	vst.idx.msk @p0 vm0, v6  }
0x1c: {  	s15 =	smov.u32 @p0 s16;
	[tilespmem:v8+s10+$0x0] =	vst.idx.msk @p0 vm0, v7  }
0x1d: {  	v6 =	vld [tilespmem:s15+$0x0];
	_ =	sdelay $0x4  }
0x1e: {  	vm14 =	veq.f32 v6, v4  }
0x1f: {  	vm1 =	vgt.f32 v6, v4;
	v4 =	vsel vm14, $0x1, v3  }
0x20: {  	v62 =	vsel vm1, $0x1, v3;
	(xrf0) =	vadd.scan.msk.s32 $0xffff, v4  }
0x21: {  	(xrf0) =	vadd.scan.msk.s32 $0xffff, v62;
	_ =	sdelay $0x4  }
0x22: {  	s15 =	spop @p0 (v2sf);
	v4, _, _ =	vpop (xrf0)  }
0x23: {  	s16 =	spop @p0 (v2sf);
	v7, _, _ =	vpop (xrf0);
	(v2sf) =	vpush v4, $0xF  }
0x24: {  	s20 =	simm.s32 $0x0;
	s16 =	sadd.s32 @p0 s21, s16;
	(v2sf) =	vpush v7, $0xF  }
0x25: {  	s20 =	smov.u32 @p0 s16  }
0x26: {  	v63 =	vmov s20  }
0x27: {  	s15 =	sadd.s32 @p0 s18, s15;
	v8 =	vadd.s32 $0xFFFFFFFF, v63  }
0x28: {  	s14 =	smov.u32 @p0 s15;
	s15 =	sadd.s32 @p0 $0x10, s19;
	v8 =	vbroadcast v8, $0x0  }
0x29: {  	s17 =	smov.u32 @p0 s15;
	v4 =	vadd.s32 s14, v4  }
0x2a: {  	v9 =	vld [tilespmem:s17+$0x0];
	vm2 =	vle.s32 v4, v5;
	v5 =	vadd.s32 v7, v8;
	v4 =	vsub.s32 $0x20, v4  }
0x2b: {  	vm0 =	vmand vm14, vm2;
	v4 =	vsel vm1, v5, v4  }
0x2c: {  	vm0 =	vmor vm1, vm0;
	vm15 =	vgt.s32 v4, $0x0  }
0x2d: {  	v4 =	vnsel vm15, $0x0, v4  }
0x2e: {  	v4 =	vmin.u32 v4, $0x1F;
	_ =	sdelay $0x2  }
0x2f: {  	v5 =	vmax.f32 v6, $0.0e+00  }
0x30: {  	[tilespmem:v9+s9+$0x0] =	vst.idx.msk vm0, v5;
	s30 =	spop (v2sf)  }
0x31: {  	[tilespmem:v4+s10+$0x0] =	vst.idx.msk vm0, v9;
	s31 =	spop (v2sf)  }
.LBB2_45:
0x32: {  	s13 =	sadd.s32 s4, s13  }
0x33: {  	[hbm4b:s13+s2] =	stream.linear.scatter [tilespmem:s9], [sflag:$0x1], $0x8000, $0x38;
	[tilespmem:$0x12080] =	vst v63  }
0x34: {  	_ =	swait.ge [sflag:s7], $0x8000  }
0x35: {  	[sflag:s7] =	ssyncset.done $0x0  }
0x36: {  	[sflag:s7] =	ssyncadd.s32 $0xFFFF8000  }
0x37: {  	v4 =	vld [tilespmem:$0x12000]  }
0x38: {  	v5 =	vld [tilespmem:$0x12010];
	_ =	sdelay $0x1  }
0x39: {  	s12 =	sadd.s32 $0x1, s12  }
0x3a: {  	p0 =	sne.s32 s12, $0x4  }
.Ltmp4:
0x3b: {  	_ = 	snop;
	(pc) =	sbr.rel @!p0 .LBB2_46-.Ltmp4, $3  }
0x3c: {  	_ =	sdelay $0x1  }
0x3d: {  	[tilespmem:v4+s9+$0x0] =	vst.idx.msk $0xffff, v1  }
0x3e: {  	[tilespmem:v5+s9+$0x0] =	vst.idx.msk $0xffff, v1  }
.LBB2_4:
0x3f: {  	s13 =	sadd.s32 s5, s12  }
0x40: {  	s13 =	sshll.u32 s13, $0xC  }
0x41: {  	s14 =	sadd.s32 s1, s13  }
0x42: {  	[tilespmem:s2], [sflag:$0x1] =	stream.linear.gather [hbm4b:s14+s2], $0x8000, $0x38;
	[tilespmem:$0x12080] =	vst v63  }
0x43: {  	_ =	swait.ge [sflag:s7], $0x8000  }
0x44: {  	[sflag:s7] =	ssyncset.done $0x0  }
0x45: {  	[sflag:s7] =	ssyncadd.s32 $0xFFFF8000  }
0x46: {  	v4 =	vld [tilespmem:$0x0]  }
0x47: {  	v5 =	vld [tilespmem:$0x10];
	_ =	sdelay $0x3  }
0x48: {  	(xrf1) =	vsort.ascd.msk.f32 $0xffff, v4, v4  }
0x49: {  	(xrf1) =	vsort.dscd.msk.f32 $0xffff, v5, v5;
	_ =	sdelay $0xc  }
0x4a: {  	v6, _, _ =	vpop (xrf1)  }
0x4b: {  	v7, _, _ =	vpop (xrf1)  }
0x4c: {  	v8 =	vmin.f32 v6, v7  }
0x4d: {  	(xrf0) =	vmin.scan.msk.f32 $0xffff, v8;
	_ =	sdelay $0x3  }
0x4e: {  	v9 =	vld [tilespmem:$0x20];
	_ =	sdelay $0x1  }
0x4f: {  	v10, _, _ =	vpop (xrf0)  }
0x50: {  	v10 =	vbroadcast v10, $0xF;
	_ =	sdelay $0x1  }
0x51: {  	vm0 =	vgt.f32 v9, v10  }
0x52: {  	v11 =	vsel vm0, $0x3F800000, v1  }
0x53: {  	(xrf0) =	vmax.scan.msk.f32 $0xffff, v11;
	_ =	sdelay $0x5  }
0x54: {  	v11, _, _ =	vpop (xrf0)  }
0x55: {  	(v2sf) =	vpush v11, $0xF;
	_ =	sdelay $0xe  }
0x56: {  	s30 =	spop (v2sf)  }
0x57: {  	p0 =	sgt.f32 s30, $0.0e+00;
	_ =	sdelay $0x1  }
0x58: {  	(xrf1) =	vsort.ascd.msk.f32 @p0 $0xffff, v8, v8  }
0x59: {  	(xrf1) =	vsort.dscd.msk.f32 @p0 $0xffff, v9, v9;
	_ =	sdelay $0xc  }
0x5a: {  	v11, _, _ =	vpop @p0 (xrf1)  }
0x5b: {  	v6 =	vmax.f32 v6, v7;
	v7, _, _ =	vpop @p0 (xrf1)  }
0x5c: {  	(xrf1) =	vsort.ascd.msk.f32 @p0 $0xffff, v6, v6;
	v7 =	vmax.f32 @p0 v11, v7  }
0x5d: {  	(xrf1) =	vsort.dscd.msk.f32 @p0 $0xffff, v7, v7;
	_ =	sdelay $0xc  }
0x5e: {  	v7, _, _ =	vpop @p0 (xrf1)  }
0x5f: {  	v11, _, _ =	vpop @p0 (xrf1)  }
0x60: {  	v12 =	vmin.f32 @p0 v7, v11  }
0x61: {  	(xrf0) =	vmin.scan.msk.f32 @p0 $0xffff, v12;
	_ =	sdelay $0x4  }
0x62: {  	v13 =	vld [tilespmem:$0x30]  }
0x63: {  	v14, _, _ =	vpop @p0 (xrf0)  }
0x64: {  	v14 =	vbroadcast @p0 v14, $0xF;
	_ =	sdelay $0x1  }
0x65: {  	v10 =	vpsel p0, v14, v10  }
0x66: {  	vm15 =	vgt.f32 v13, v10  }
0x67: {  	v63 =	vsel vm15, $0x3F800000, v1  }
0x68: {  	(xrf0) =	vmax.scan.msk.f32 $0xffff, v63;
	_ =	sdelay $0x5  }
0x69: {  	v14, _, _ =	vpop (xrf0)  }
0x6a: {  	(v2sf) =	vpush v14, $0xF;
	_ =	sdelay $0xe  }
0x6b: {  	s31 =	spop (v2sf)  }
0x6c: {  	p1 =	sgt.f32 s31, $0.0e+00  }
0x6d: {  	v8 =	vpsel p0, v12, v8  }
0x6e: {  	(xrf1) =	vsort.ascd.msk.f32 @p1 $0xffff, v8, v8  }
0x6f: {  	(xrf1) =	vsort.dscd.msk.f32 @p1 $0xffff, v13, v13;
	_ =	sdelay $0xc  }
0x70: {  	v7 =	vmax.f32 @p0 v7, v11;
	v11, _, _ =	vpop @p1 (xrf1)  }
0x71: {  	v7 =	vpsel p0, v7, v6;
	v6, _, _ =	vpop @p1 (xrf1)  }
0x72: {  	(xrf1) =	vsort.ascd.msk.f32 @p1 $0xffff, v7, v7;
	v6 =	vmax.f32 @p1 v11, v6  }
0x73: {  	(xrf1) =	vsort.dscd.msk.f32 @p1 $0xffff, v6, v6;
	_ =	sdelay $0xc  }
0x74: {  	v6, _, _ =	vpop @p1 (xrf1)  }
0x75: {  	v11, _, _ =	vpop @p1 (xrf1)  }
0x76: {  	v12 =	vmin.f32 @p1 v6, v11  }
0x77: {  	(xrf0) =	vmin.scan.msk.f32 @p1 $0xffff, v12;
	_ =	sdelay $0x1  }
0x78: {  	[tilespmem:$0x11000] =	vst v0  }
0x79: {  	[tilespmem:$0x11010] =	vst v2  }
0x7a: {  	[tilespmem:$0x10000] =	vst v4  }
.Ltmp5:
0x7b: {  	[tilespmem:$0x10010] =	vst v5;
	v4 =	vlaneseq.u32 @p0;
	(pc) =	sbr.rel .LBB2_5-.Ltmp5, $4  }
0x7c: {  	s14 =	simm.s32 $0x20;
	[tilespmem:$0x10020] =	vst @p0 v9;
	v4 =	vor.u32 @p0 $0x20, v4;
	v5, _, _ =	vpop @p1 (xrf0)  }
0x7d: {  	[smem:$0x0] =	sst s8;
	s14 =	simm.s32 @p0 $0x30;
	s15 =	simm.s32 @p0 $0x30;
	[tilespmem:$0x11020] =	vst @p0 v4;
	v4 =	vlaneseq.u32 @p1;
	v5 =	vbroadcast @p1 v5, $0xF  }
0x7e: {  	[smem:$0x0] =	sst @p0 s15;
	[tilespmem:s14+$0x10000] =	vst @p1 v13;
	s15 =	sadd.s32 @p1 $0x10, s14;
	v4 =	vor.u32 @p1 $0x30, v4;
	v9 =	vmax.f32 @p1 v6, v11  }
0x7f: {  	[smem:$0x0] =	sst @p1 s15;
	[tilespmem:s14+$0x11000] =	vst @p1 v4;
	s14 =	smov.u32 @p1 s15;
	s15 =	simm.s32 $0x1;
	v6 =	vpsel p1, v12, v8;
	v7 =	vpsel p1, v9, v7;
	v4 =	vpsel p1, v5, v10  }
.LBB2_25:
0x80: {  	(xrf1) =	vsort.ascd.msk.f32 $0xffff, v6, v6  }
0x81: {  	(xrf1) =	vsort.dscd.msk.f32 $0xffff, v5, v5;
	_ =	sdelay $0xc  }
0x82: {  	v4, _, _ =	vpop (xrf1)  }
0x83: {  	v6, _, _ =	vpop (xrf1)  }
0x84: {  	(xrf1) =	vsort.ascd.msk.f32 $0xffff, v7, v7;
	v4 =	vmax.f32 v4, v6  }
0x85: {  	(xrf1) =	vsort.dscd.msk.f32 $0xffff, v4, v4;
	_ =	sdelay $0xc  }
0x86: {  	v4, _, _ =	vpop (xrf1)  }
0x87: {  	v7, _, _ =	vpop (xrf1)  }
0x88: {  	v6 =	vmin.f32 v4, v7  }
0x89: {  	(xrf0) =	vmin.scan.msk.f32 $0xffff, v6;
	_ =	sdelay $0x1  }
0x8a: {  	s16 =	sor.u32 $0x30, s16  }
0x8b: {  	[tilespmem:s14+$0x10000] =	vst v5;
	v5 =	vor.u32 s16, v0;
	_ =	sdelay $0x2  }
0x8c: {  	[tilespmem:s14+$0x11000] =	vst v5;
	s14 =	sadd.s32 $0x10, s14;
	v5, _, _ =	vpop (xrf0)  }
0x8d: {  	[smem:$0x0] =	sst s14;
	v7 =	vmax.f32 v4, v7;
	v4 =	vbroadcast v5, $0xF  }
.LBB2_26:
0x8e: {  	s15 =	sadd.s32 $0x1, s15  }
0x8f: {  	p0 =	sne.s32 s15, $0x200  }
.Ltmp6:
0x90: {  	_ = 	snop;
	(pc) =	sbr.rel @!p0 .LBB2_27-.Ltmp6, $1  }
0x91: {  	_ =	sdelay $0x3  }
.LBB2_5:
0x92: {  	s16 =	sshll.u32 s15, $0x6  }
0x93: {  	v10 =	vld [tilespmem:s16+$0x0]  }
0x94: {  	v9 =	vld [tilespmem:s16+$0x10]  }
0x95: {  	v8 =	vld [tilespmem:s16+$0x20]  }
0x96: {  	v5 =	vld [tilespmem:s16+$0x30];
	_ =	sdelay $0x4  }
0x97: {  	v11 =	vmax.f32 v10, v9;
	v12 =	vmax.f32 v8, v5  }
0x98: {  	v11 =	vmax.f32 v11, v12  }
0x99: {  	vm0 =	vgt.f32 v11, v4  }
0x9a: {  	v11 =	vsel vm0, $0x3F800000, v1  }
0x9b: {  	(xrf0) =	vmax.scan.msk.f32 $0xffff, v11;
	_ =	sdelay $0x5  }
0x9c: {  	v11, _, _ =	vpop (xrf0)  }
0x9d: {  	(v2sf) =	vpush v11, $0xF;
	_ =	sdelay $0xe  }
0x9e: {  	s17 =	spop (v2sf)  }
0x9f: {  	p0 =	sgt.f32 s17, $0.0e+00  }
.Ltmp7:
0xa0: {  	_ = 	snop;
	(pc) =	sbr.rel @!p0 .LBB2_26-.Ltmp7, $1  }
0xa1: {  	_ =	sdelay $0x3  }
0xa2: {  	vm0 =	vgt.f32 v10, v4  }
0xa3: {  	v11 =	vsel vm0, $0x3F800000, v1  }
0xa4: {  	(xrf0) =	vmax.scan.msk.f32 $0xffff, v11;
	_ =	sdelay $0x5  }
0xa5: {  	v11, _, _ =	vpop (xrf0)  }
0xa6: {  	(v2sf) =	vpush v11, $0xF;
	_ =	sdelay $0xe  }
0xa7: {  	s17 =	spop (v2sf)  }
0xa8: {  	p0 =	sgt.f32 s17, $0.0e+00  }
.Ltmp8:
0xa9: {  	_ = 	snop;
	(pc) =	sbr.rel @!p0 .LBB2_11-.Ltmp8, $1  }
0xaa: {  	_ =	sdelay $0x3  }
0xab: {  	p0 =	slt.s32 s14, $0xFF0  }
.Ltmp9:
0xac: {  	_ = 	snop;
	(pc) =	sbr.rel @p0 .LBB2_10-.Ltmp9, $1  }
0xad: {  	_ =	sdelay $0x3  }
0xae: {  	s17 =	simm.s32 $0x10000  }
0xaf: {  	v11 =	vld [tilespmem:s17+$0x0];
	_ =	sdelay $0x4  }
0xb0: {  	vm0 =	vge.f32 v11, v4  }
0xb1: {  	v12 =	vsel vm0, $0x3F800000, v1  }
0xb2: {  	(xrf0) =	vmax.scan.msk.f32 $0xffff, v12;
	_ =	sdelay $0x5  }
0xb3: {  	v12, _, _ =	vpop (xrf0)  }
0xb4: {  	(v2sf) =	vpush v12, $0xF;
	_ =	sdelay $0xe  }
0xb5: {  	s31 =	spop (v2sf)  }
0xb6: {  	p0 =	sgt.f32 s31, $0.0e+00  }
0xb7: {  	s19 =	simm.s32 $0x0;
	s14 =	sshrl.u32 s14, $0x4  }
0xb8: {  	s17 =	simm.s32 $0x11000;
	s18 =	sadd.s32 $0xFFFFFFFF, s14;
	[tilespmem:s19+$0x10000] =	vst @p0 v11  }
0xb9: {  	p1 =	sne.s32 s18, $0x0;
	v11 =	vld @p0 [tilespmem:s17+$0x0]  }
.Ltmp10:
0xba: {  	_ = 	snop;
	(pc) =	sbr.rel @!p1 .LBB2_10-.Ltmp10, $4  }
0xbb: {  	_ = 	snop  }
0xbc: {  	s14 =	simm.s32 $0x0  }
0xbd: {  	s14 =	simm.s32 @p0 $0x10  }
0xbe: {  	s14 =	sadd.s32 $0x0, s14;
	[tilespmem:s19+$0x11000] =	vst @p0 v11;
	s19 =	simm.s32 $0x10010  }
.LBB2_9:
0xbf: {  	v11 =	vld [tilespmem:s19+$0x0];
	s18 =	sadd.s32 $0xFFFFFFFF, s18;
	s20 =	smov.u32 s14  }
0xc0: {  	p0 =	sne.s32 s18, $0x0;
	_ =	sdelay $0x3  }
0xc1: {  	vm0 =	vge.f32 v11, v4  }
0xc2: {  	v12 =	vsel vm0, $0x3F800000, v1  }
0xc3: {  	(xrf0) =	vmax.scan.msk.f32 $0xffff, v12;
	_ =	sdelay $0x5  }
0xc4: {  	v12, _, _ =	vpop (xrf0)  }
0xc5: {  	(v2sf) =	vpush v12, $0xF;
	_ =	sdelay $0xe  }
0xc6: {  	s21 =	spop (v2sf)  }
0xc7: {  	p1 =	sgt.f32 s21, $0.0e+00  }
0xc8: {  	s21 =	simm.s32 $0x0  }
0xc9: {  	s17 =	sadd.s32 $0x10, s17;
	[tilespmem:s14+$0x10000] =	vst @p1 v11;
	s21 =	simm.s32 @p1 $0x10  }
0xca: {  	v11 =	vld @p1 [tilespmem:s17+$0x0];
	s14 =	sadd.s32 s14, s21  }
.Ltmp11:
0xcb: {  	(pc) =	sbr.rel @p0 .LBB2_9-.Ltmp11, $2  }
0xcc: {  	_ =	sdelay $0x2  }
0xcd: {  	s19 =	sadd.s32 $0x10, s19;
	[tilespmem:s20+$0x11000] =	vst @p1 v11  }
.LBB2_10:
0xce: {  	(xrf1) =	vsort.ascd.msk.f32 $0xffff, v6, v6  }
0xcf: {  	(xrf1) =	vsort.dscd.msk.f32 $0xffff, v10, v10;
	_ =	sdelay $0xc  }
0xd0: {  	v4, _, _ =	vpop (xrf1)  }
0xd1: {  	v6, _, _ =	vpop (xrf1)  }
0xd2: {  	(xrf1) =	vsort.ascd.msk.f32 $0xffff, v7, v7;
	v4 =	vmax.f32 v4, v6  }
0xd3: {  	(xrf1) =	vsort.dscd.msk.f32 $0xffff, v4, v4;
	_ =	sdelay $0xc  }
0xd4: {  	v4, _, _ =	vpop (xrf1)  }
0xd5: {  	v7, _, _ =	vpop (xrf1)  }
0xd6: {  	v6 =	vmin.f32 v4, v7  }
0xd7: {  	(xrf0) =	vmin.scan.msk.f32 $0xffff, v6;
	_ =	sdelay $0x2  }
0xd8: {  	[tilespmem:s14+$0x10000] =	vst v10;
	v10 =	vor.u32 s16, v0;
	_ =	sdelay $0x2  }
0xd9: {  	[tilespmem:s14+$0x11000] =	vst v10;
	s14 =	sadd.s32 $0x10, s14;
	v10, _, _ =	vpop (xrf0)  }
0xda: {  	[smem:$0x0] =	sst s14;
	v7 =	vmax.f32 v4, v7;
	v4 =	vbroadcast v10, $0xF  }
.LBB2_11:
0xdb: {  	_ = 	snop  }
0xdc: {  	vm0 =	vgt.f32 v9, v4  }
0xdd: {  	v10 =	vsel vm0, $0x3F800000, v1  }
0xde: {  	(xrf0) =	vmax.scan.msk.f32 $0xffff, v10;
	_ =	sdelay $0x5  }
0xdf: {  	v10, _, _ =	vpop (xrf0)  }
0xe0: {  	(v2sf) =	vpush v10, $0xF;
	_ =	sdelay $0xe  }
0xe1: {  	s17 =	spop (v2sf)  }
0xe2: {  	p0 =	sgt.f32 s17, $0.0e+00  }
.Ltmp12:
0xe3: {  	_ = 	snop;
	(pc) =	sbr.rel @!p0 .LBB2_16-.Ltmp12, $1  }
0xe4: {  	_ =	sdelay $0x3  }
0xe5: {  	p0 =	slt.s32 s14, $0xFF0  }
.Ltmp13:
0xe6: {  	_ = 	snop;
	(pc) =	sbr.rel @p0 .LBB2_15-.Ltmp13, $1  }
0xe7: {  	_ =	sdelay $0x3  }
0xe8: {  	s17 =	simm.s32 $0x10000  }
0xe9: {  	v10 =	vld [tilespmem:s17+$0x0];
	_ =	sdelay $0x4  }
0xea: {  	vm0 =	vge.f32 v10, v4  }
0xeb: {  	v11 =	vsel vm0, $0x3F800000, v1  }
0xec: {  	(xrf0) =	vmax.scan.msk.f32 $0xffff, v11;
	_ =	sdelay $0x5  }
0xed: {  	v11, _, _ =	vpop (xrf0)  }
0xee: {  	(v2sf) =	vpush v11, $0xF;
	_ =	sdelay $0xe  }
0xef: {  	s31 =	spop (v2sf)  }
0xf0: {  	p0 =	sgt.f32 s31, $0.0e+00  }
0xf1: {  	s19 =	simm.s32 $0x0;
	s14 =	sshrl.u32 s14, $0x4  }
0xf2: {  	s17 =	simm.s32 $0x11000;
	s18 =	sadd.s32 $0xFFFFFFFF, s14;
	[tilespmem:s19+$0x10000] =	vst @p0 v10  }
0xf3: {  	p1 =	sne.s32 s18, $0x0;
	v10 =	vld @p0 [tilespmem:s17+$0x0]  }
.Ltmp14:
0xf4: {  	_ = 	snop;
	(pc) =	sbr.rel @!p1 .LBB2_15-.Ltmp14, $4  }
0xf5: {  	_ = 	snop  }
0xf6: {  	s14 =	simm.s32 $0x0  }
0xf7: {  	s14 =	simm.s32 @p0 $0x10  }
0xf8: {  	s14 =	sadd.s32 $0x0, s14;
	[tilespmem:s19+$0x11000] =	vst @p0 v10;
	s19 =	simm.s32 $0x10010  }
.LBB2_14:
0xf9: {  	v10 =	vld [tilespmem:s19+$0x0];
	s18 =	sadd.s32 $0xFFFFFFFF, s18;
	s20 =	smov.u32 s14  }
0xfa: {  	p0 =	sne.s32 s18, $0x0;
	_ =	sdelay $0x3  }
0xfb: {  	vm0 =	vge.f32 v10, v4  }
0xfc: {  	v11 =	vsel vm0, $0x3F800000, v1  }
0xfd: {  	(xrf0) =	vmax.scan.msk.f32 $0xffff, v11;
	_ =	sdelay $0x5  }
0xfe: {  	v11, _, _ =	vpop (xrf0)  }
0xff: {  	(v2sf) =	vpush v11, $0xF;
	_ =	sdelay $0xe  }
0x100: {  	s21 =	spop (v2sf)  }
0x101: {  	p1 =	sgt.f32 s21, $0.0e+00  }
0x102: {  	s21 =	simm.s32 $0x0  }
0x103: {  	s17 =	sadd.s32 $0x10, s17;
	[tilespmem:s14+$0x10000] =	vst @p1 v10;
	s21 =	simm.s32 @p1 $0x10  }
0x104: {  	v10 =	vld @p1 [tilespmem:s17+$0x0];
	s14 =	sadd.s32 s14, s21  }
.Ltmp15:
0x105: {  	(pc) =	sbr.rel @p0 .LBB2_14-.Ltmp15, $2  }
0x106: {  	_ =	sdelay $0x2  }
0x107: {  	s19 =	sadd.s32 $0x10, s19;
	[tilespmem:s20+$0x11000] =	vst @p1 v10  }
.LBB2_15:
0x108: {  	(xrf1) =	vsort.ascd.msk.f32 $0xffff, v6, v6  }
0x109: {  	(xrf1) =	vsort.dscd.msk.f32 $0xffff, v9, v9;
	_ =	sdelay $0xc  }
0x10a: {  	v4, _, _ =	vpop (xrf1)  }
0x10b: {  	v6, _, _ =	vpop (xrf1)  }
0x10c: {  	(xrf1) =	vsort.ascd.msk.f32 $0xffff, v7, v7;
	v4 =	vmax.f32 v4, v6  }
0x10d: {  	(xrf1) =	vsort.dscd.msk.f32 $0xffff, v4, v4;
	_ =	sdelay $0xc  }
0x10e: {  	v4, _, _ =	vpop (xrf1)  }
0x10f: {  	v7, _, _ =	vpop (xrf1)  }
0x110: {  	v6 =	vmin.f32 v4, v7  }
0x111: {  	(xrf0) =	vmin.scan.msk.f32 $0xffff, v6;
	_ =	sdelay $0x1  }
0x112: {  	s17 =	sor.u32 $0x10, s16  }
0x113: {  	[tilespmem:s14+$0x10000] =	vst v9;
	v9 =	vor.u32 s17, v0;
	_ =	sdelay $0x2  }
0x114: {  	[tilespmem:s14+$0x11000] =	vst v9;
	s14 =	sadd.s32 $0x10, s14;
	v9, _, _ =	vpop (xrf0)  }
0x115: {  	[smem:$0x0] =	sst s14;
	v7 =	vmax.f32 v4, v7;
	v4 =	vbroadcast v9, $0xF  }
.LBB2_16:
0x116: {  	_ = 	snop  }
0x117: {  	vm0 =	vgt.f32 v8, v4  }
0x118: {  	v9 =	vsel vm0, $0x3F800000, v1  }
0x119: {  	(xrf0) =	vmax.scan.msk.f32 $0xffff, v9;
	_ =	sdelay $0x5  }
0x11a: {  	v9, _, _ =	vpop (xrf0)  }
0x11b: {  	(v2sf) =	vpush v9, $0xF;
	_ =	sdelay $0xe  }
0x11c: {  	s17 =	spop (v2sf)  }
0x11d: {  	p0 =	sgt.f32 s17, $0.0e+00  }
.Ltmp16:
0x11e: {  	_ = 	snop;
	(pc) =	sbr.rel @!p0 .LBB2_21-.Ltmp16, $1  }
0x11f: {  	_ =	sdelay $0x3  }
0x120: {  	p0 =	slt.s32 s14, $0xFF0  }
.Ltmp17:
0x121: {  	_ = 	snop;
	(pc) =	sbr.rel @p0 .LBB2_20-.Ltmp17, $1  }
0x122: {  	_ =	sdelay $0x3  }
0x123: {  	s17 =	simm.s32 $0x10000  }
0x124: {  	v9 =	vld [tilespmem:s17+$0x0];
	_ =	sdelay $0x4  }
0x125: {  	vm0 =	vge.f32 v9, v4  }
0x126: {  	v10 =	vsel vm0, $0x3F800000, v1  }
0x127: {  	(xrf0) =	vmax.scan.msk.f32 $0xffff, v10;
	_ =	sdelay $0x5  }
0x128: {  	v10, _, _ =	vpop (xrf0)  }
0x129: {  	(v2sf) =	vpush v10, $0xF;
	_ =	sdelay $0xe  }
0x12a: {  	s31 =	spop (v2sf)  }
0x12b: {  	p0 =	sgt.f32 s31, $0.0e+00  }
0x12c: {  	s19 =	simm.s32 $0x0;
	s14 =	sshrl.u32 s14, $0x4  }
0x12d: {  	s17 =	simm.s32 $0x11000;
	s18 =	sadd.s32 $0xFFFFFFFF, s14;
	[tilespmem:s19+$0x10000] =	vst @p0 v9  }
0x12e: {  	p1 =	sne.s32 s18, $0x0;
	v9 =	vld @p0 [tilespmem:s17+$0x0]  }
.Ltmp18:
0x12f: {  	_ = 	snop;
	(pc) =	sbr.rel @!p1 .LBB2_20-.Ltmp18, $4  }
0x130: {  	_ = 	snop  }
0x131: {  	s14 =	simm.s32 $0x0  }
0x132: {  	s14 =	simm.s32 @p0 $0x10  }
0x133: {  	s14 =	sadd.s32 $0x0, s14;
	[tilespmem:s19+$0x11000] =	vst @p0 v9;
	s19 =	simm.s32 $0x10010  }
.LBB2_19:
0x134: {  	v9 =	vld [tilespmem:s19+$0x0];
	s18 =	sadd.s32 $0xFFFFFFFF, s18;
	s20 =	smov.u32 s14  }
0x135: {  	p0 =	sne.s32 s18, $0x0;
	_ =	sdelay $0x3  }
0x136: {  	vm0 =	vge.f32 v9, v4  }
0x137: {  	v10 =	vsel vm0, $0x3F800000, v1  }
0x138: {  	(xrf0) =	vmax.scan.msk.f32 $0xffff, v10;
	_ =	sdelay $0x5  }
0x139: {  	v10, _, _ =	vpop (xrf0)  }
0x13a: {  	(v2sf) =	vpush v10, $0xF;
	_ =	sdelay $0xe  }
0x13b: {  	s21 =	spop (v2sf)  }
0x13c: {  	p1 =	sgt.f32 s21, $0.0e+00  }
0x13d: {  	s21 =	simm.s32 $0x0  }
0x13e: {  	s17 =	sadd.s32 $0x10, s17;
	[tilespmem:s14+$0x10000] =	vst @p1 v9;
	s21 =	simm.s32 @p1 $0x10  }
0x13f: {  	v9 =	vld @p1 [tilespmem:s17+$0x0];
	s14 =	sadd.s32 s14, s21  }
.Ltmp19:
0x140: {  	(pc) =	sbr.rel @p0 .LBB2_19-.Ltmp19, $2  }
0x141: {  	_ =	sdelay $0x2  }
0x142: {  	s19 =	sadd.s32 $0x10, s19;
	[tilespmem:s20+$0x11000] =	vst @p1 v9  }
.LBB2_20:
0x143: {  	(xrf1) =	vsort.ascd.msk.f32 $0xffff, v6, v6  }
0x144: {  	(xrf1) =	vsort.dscd.msk.f32 $0xffff, v8, v8;
	_ =	sdelay $0xc  }
0x145: {  	v4, _, _ =	vpop (xrf1)  }
0x146: {  	v6, _, _ =	vpop (xrf1)  }
0x147: {  	(xrf1) =	vsort.ascd.msk.f32 $0xffff, v7, v7;
	v4 =	vmax.f32 v4, v6  }
0x148: {  	(xrf1) =	vsort.dscd.msk.f32 $0xffff, v4, v4;
	_ =	sdelay $0xc  }
0x149: {  	v4, _, _ =	vpop (xrf1)  }
0x14a: {  	v7, _, _ =	vpop (xrf1)  }
0x14b: {  	v6 =	vmin.f32 v4, v7  }
0x14c: {  	(xrf0) =	vmin.scan.msk.f32 $0xffff, v6;
	_ =	sdelay $0x1  }
0x14d: {  	s17 =	sor.u32 $0x20, s16  }
0x14e: {  	[tilespmem:s14+$0x10000] =	vst v8;
	v8 =	vor.u32 s17, v0;
	_ =	sdelay $0x2  }
0x14f: {  	[tilespmem:s14+$0x11000] =	vst v8;
	s14 =	sadd.s32 $0x10, s14;
	v8, _, _ =	vpop (xrf0)  }
0x150: {  	[smem:$0x0] =	sst s14;
	v7 =	vmax.f32 v4, v7;
	v4 =	vbroadcast v8, $0xF  }
.LBB2_21:
0x151: {  	_ = 	snop  }
0x152: {  	vm0 =	vgt.f32 v5, v4  }
0x153: {  	v8 =	vsel vm0, $0x3F800000, v1  }
0x154: {  	(xrf0) =	vmax.scan.msk.f32 $0xffff, v8;
	_ =	sdelay $0x5  }
0x155: {  	v8, _, _ =	vpop (xrf0)  }
0x156: {  	(v2sf) =	vpush v8, $0xF;
	_ =	sdelay $0xe  }
0x157: {  	s17 =	spop (v2sf)  }
0x158: {  	p0 =	sgt.f32 s17, $0.0e+00  }
.Ltmp20:
0x159: {  	_ = 	snop;
	(pc) =	sbr.rel @!p0 .LBB2_26-.Ltmp20, $1  }
0x15a: {  	_ =	sdelay $0x3  }
0x15b: {  	p0 =	slt.s32 s14, $0xFF0  }
.Ltmp21:
0x15c: {  	_ = 	snop;
	(pc) =	sbr.rel @p0 .LBB2_25-.Ltmp21, $1  }
0x15d: {  	_ =	sdelay $0x3  }
0x15e: {  	s17 =	simm.s32 $0x10000  }
0x15f: {  	v8 =	vld [tilespmem:s17+$0x0];
	_ =	sdelay $0x4  }
0x160: {  	vm0 =	vge.f32 v8, v4  }
0x161: {  	v9 =	vsel vm0, $0x3F800000, v1  }
0x162: {  	(xrf0) =	vmax.scan.msk.f32 $0xffff, v9;
	_ =	sdelay $0x5  }
0x163: {  	v9, _, _ =	vpop (xrf0)  }
0x164: {  	(v2sf) =	vpush v9, $0xF;
	_ =	sdelay $0xe  }
0x165: {  	s31 =	spop (v2sf)  }
0x166: {  	p0 =	sgt.f32 s31, $0.0e+00  }
0x167: {  	s19 =	simm.s32 $0x0;
	s14 =	sshrl.u32 s14, $0x4  }
0x168: {  	s17 =	simm.s32 $0x11000;
	s18 =	sadd.s32 $0xFFFFFFFF, s14;
	[tilespmem:s19+$0x10000] =	vst @p0 v8  }
0x169: {  	p1 =	sne.s32 s18, $0x0;
	v8 =	vld @p0 [tilespmem:s17+$0x0]  }
.Ltmp22:
0x16a: {  	_ = 	snop;
	(pc) =	sbr.rel @!p1 .LBB2_25-.Ltmp22, $4  }
0x16b: {  	_ = 	snop  }
0x16c: {  	s14 =	simm.s32 $0x0  }
0x16d: {  	s14 =	simm.s32 @p0 $0x10  }
0x16e: {  	s14 =	sadd.s32 $0x0, s14;
	[tilespmem:s19+$0x11000] =	vst @p0 v8;
	s19 =	simm.s32 $0x10010  }
.LBB2_24:
0x16f: {  	v8 =	vld [tilespmem:s19+$0x0];
	s18 =	sadd.s32 $0xFFFFFFFF, s18;
	s20 =	smov.u32 s14  }
0x170: {  	p0 =	sne.s32 s18, $0x0;
	_ =	sdelay $0x3  }
0x171: {  	vm0 =	vge.f32 v8, v4  }
0x172: {  	v9 =	vsel vm0, $0x3F800000, v1  }
0x173: {  	(xrf0) =	vmax.scan.msk.f32 $0xffff, v9;
	_ =	sdelay $0x5  }
0x174: {  	v9, _, _ =	vpop (xrf0)  }
0x175: {  	(v2sf) =	vpush v9, $0xF;
	_ =	sdelay $0xe  }
0x176: {  	s21 =	spop (v2sf)  }
0x177: {  	p1 =	sgt.f32 s21, $0.0e+00  }
0x178: {  	s21 =	simm.s32 $0x0  }
0x179: {  	s17 =	sadd.s32 $0x10, s17;
	[tilespmem:s14+$0x10000] =	vst @p1 v8;
	s21 =	simm.s32 @p1 $0x10  }
0x17a: {  	v8 =	vld @p1 [tilespmem:s17+$0x0];
	s14 =	sadd.s32 s14, s21  }
.Ltmp23:
0x17b: {  	(pc) =	sbr.rel @p0 .LBB2_24-.Ltmp23, $2  }
0x17c: {  	_ =	sdelay $0x2  }
0x17d: {  	s19 =	sadd.s32 $0x10, s19;
	[tilespmem:s20+$0x11000] =	vst @p1 v8  }
.Ltmp24:
0x17e: {  	_ = 	snop;
	(pc) =	sbr.rel .LBB2_25-.Ltmp24, $1  }
0x17f: {  	_ =	sdelay $0x3  }
.LBB2_27:
0x180: {  	s15 =	sand.u32 $0xF, s14  }
0x181: {  	s16 =	sshra.s32 s14, $0x1F;
	p0 =	slt.s32 s14, $0x1;
	p1 =	sne.s32 s15, $0x0  }
0x182: {  	s30 =	sshrl.u32 s16, $0x1C;
	p0 =	por !p0, !p1  }
0x183: {  	s15 =	simm.s32 $0x1;
	s31 =	sadd.s32 s30, s14;
	p0 =	por !p0, !p0  }
0x184: {  	s14 =	sshra.s32 s31, $0x4;
	s15 =	simm.s32 @!p0 $0x0  }
0x185: {  	s16 =	ssub.s32 s14, s15  }
0x186: {  	p0 =	slt.s32 s16, $0x1  }
.Ltmp25:
0x187: {  	_ = 	snop;
	(pc) =	sbr.rel @p0 .LBB2_45-.Ltmp25, $1  }
0x188: {  	_ =	sdelay $0x3  }
0x189: {  	s15 =	simm.s32 $0x10000  }
0x18a: {  	p1 =	sne.s32 s16, $0x1;
	v5 =	vld [tilespmem:s15+$0x0]  }
.Ltmp26:
0x18b: {  	_ = 	snop;
	(pc) =	sbr.rel @!p1 .LBB2_29-.Ltmp26, $4  }
0x18c: {  	_ = 	snop  }
0x18d: {  	s14 =	simm.s32 $0x0  }
0x18e: {  	s16 =	sadd.s32 $0xFFFFFFFF, s16;
	s17 =	simm.s32 $0x10010;
	p2 =	por $0x0, $0x0  }
0x18f: {  	p3 =	por $0x0, $0x0;
	p4 =	por $0x0, $0x0;
	p0 =	por $0x0, $0x0;
	vm0 =	vgt.f32 v5, v4  }
0x190: {  	v5 =	vld [tilespmem:s17+$0x0];
	p5 =	sne.s32 s16, $0x1  }
.Ltmp27:
0x191: {  	_ = 	snop;
	(pc) =	sbr.rel @!p5 .LBB2_31-.Ltmp27, $3  }
0x192: {  	_ =	sdelay $0x1  }
0x193: {  	v6 =	vsel vm0, $0x1, v3  }
0x194: {  	s17 =	sadd.s32 $0xFFFFFFFF, s16;
	s18 =	simm.s32 $0x10020;
	p2 =	por $0x1, $0x1;
	(xrf0) =	vadd.scan.msk.s32 $0xffff, v6;
	vm0 =	vgt.f32 v5, v4  }
0x195: {  	_ = 	snop  }
0x196: {  	v5 =	vld [tilespmem:s18+$0x0];
	p5 =	sne.s32 s17, $0x1  }
.Ltmp28:
0x197: {  	_ = 	snop;
	(pc) =	sbr.rel @!p5 .LBB2_33-.Ltmp28, $3  }
0x198: {  	_ =	sdelay $0x1  }
0x199: {  	v6 =	vsel vm0, $0x1, v3;
	v7, _, _ =	vpop (xrf0)  }
0x19a: {  	s17 =	sadd.s32 $0xFFFFFFFF, s17;
	s18 =	simm.s32 $0x10030;
	p3 =	por $0x1, $0x1;
	(xrf0) =	vadd.scan.msk.s32 $0xffff, v6;
	vm0 =	vgt.f32 v5, v4;
	(v2sf) =	vpush v7, $0xF  }
0x19b: {  	_ =	sdelay $0x4  }
0x19c: {  	v7, _, _ =	vpop (xrf0)  }
0x19d: {  	(v2sf) =	vpush v7, $0xF;
	_ =	sdelay $0x3  }
0x19e: {  	v5 =	vld [tilespmem:s18+$0x0];
	p5 =	sne.s32 s17, $0x1  }
.Ltmp29:
0x19f: {  	_ = 	snop;
	(pc) =	sbr.rel @!p5 .LBB2_35-.Ltmp29, $3  }
0x1a0: {  	_ =	sdelay $0x1  }
0x1a1: {  	v6 =	vsel vm0, $0x1, v3  }
0x1a2: {  	s17 =	sadd.s32 $0xFFFFFFFF, s17;
	s18 =	simm.s32 $0x10040;
	p4 =	por $0x1, $0x1;
	(xrf0) =	vadd.scan.msk.s32 $0xffff, v6;
	vm0 =	vgt.f32 v5, v4  }
0x1a3: {  	_ =	sdelay $0x4  }
0x1a4: {  	v7, _, _ =	vpop (xrf0)  }
0x1a5: {  	(v2sf) =	vpush v7, $0xF;
	_ =	sdelay $0x2  }
0x1a6: {  	v5 =	vld [tilespmem:s18+$0x0];
	p6 =	sne.s32 s17, $0x1;
	v6 =	vsel vm0, $0x1, v3  }
.Ltmp30:
0x1a7: {  	(xrf0) =	vadd.scan.msk.s32 $0xffff, v6;
	(pc) =	sbr.rel @!p6 .LBB2_37-.Ltmp30, $3  }
0x1a8: {  	_ =	sdelay $0x1  }
0x1a9: {  	s19 =	sadd.s32 $0xFFFFFFFF, s17;
	s20 =	simm.s32 $0x10050  }
0x1aa: {  	s18 =	spop (v2sf);
	p5 =	por $0x1, $0x1;
	s17 =	simm.s32 $0x0;
	vm0 =	vgt.f32 v5, v4  }
.LBB2_38:
0x1ab: {  	v5 =	vld [tilespmem:s20+$0x0];
	p6 =	sne.s32 s19, $0x1;
	s19 =	sadd.s32 $0xFFFFFFFF, s19;
	v7 =	vsel vm0, $0x1, v3;
	s17 =	sadd.s32 s17, s18  }
.Ltmp31:
0x1ac: {  	(xrf0) =	vadd.scan.msk.s32 $0xffff, v7;
	v6, _, _ =	vpop (xrf0);
	(pc) =	sbr.rel @p6 .LBB2_38-.Ltmp31, $2  }
0x1ad: {  	(v2sf) =	vpush v6, $0xF;
	_ =	sdelay $0x3  }
0x1ae: {  	s20 =	sadd.s32 $0x10, s20;
	vm0 =	vgt.f32 v5, v4;
	s18 =	spop (v2sf)  }
0x1af: {  	_ = 	snop  }
.LBB2_40:
0x1b0: {  	v5 =	vsel vm0, $0x1, v3  }
0x1b1: {  	(xrf0) =	vadd.scan.msk.s32 $0xffff, v5;
	_ =	sdelay $0x2  }
0x1b2: {  	v5, _, _ =	vpop @p2 (xrf0)  }
0x1b3: {  	(v2sf) =	vpush @p2 v5, $0xF;
	_ =	sdelay $0x1  }
0x1b4: {  	v5, _, _ =	vpop (xrf0)  }
0x1b5: {  	(v2sf) =	vpush v5, $0xF;
	_ =	sdelay $0x7  }
0x1b6: {  	s19 =	spop @p4 (v2sf);
	s17 =	sadd.s32 @p5 s17, s18;
	s18 =	simm.s32 $0x0  }
0x1b7: {  	s19 =	smov.u32 @p4 s19;
	s18 =	smov.u32 @p5 s17  }
0x1b8: {  	s17 =	sadd.s32 @p4 s18, s19;
	s19 =	simm.s32 $0x0;
	s18 =	spop @p3 (v2sf)  }
0x1b9: {  	s19 =	smov.u32 @p4 s17;
	s18 =	smov.u32 @p3 s18  }
0x1ba: {  	s17 =	sadd.s32 @p3 s19, s18;
	s19 =	simm.s32 $0x0;
	s18 =	spop @p2 (v2sf)  }
0x1bb: {  	s19 =	smov.u32 @p3 s17;
	s18 =	smov.u32 @p2 s18  }
.Ltmp32:
0x1bc: {  	s17 =	sadd.s32 @p2 s19, s18;
	s18 =	simm.s32 $0x0;
	(pc) =	sbr.rel @!p1 .LBB2_44-.Ltmp32, $4  }
0x1bd: {  	s18 =	smov.u32 @p2 s17;
	s31 =	spop (v2sf)  }
0x1be: {  	s17 =	sadd.s32 s18, s31  }
0x1bf: {  	s20 =	simm.s32 $0x10000;
	s21 =	simm.s32 $0x0;
	s18 =	ssub.s32 $0x20, s17  }
0x1c0: {  	s19 =	simm.s32 $0x11000;
	s17 =	simm.s32 $0x11000;
	v5 =	vmov s18;
	s18 =	simm.s32 $0x0  }
0x1c1: {  	v6 =	vld [tilespmem:s15+$0x0];
	_ =	sdelay $0x4  }
0x1c2: {  	vm0 =	veq.f32 v6, v4  }
0x1c3: {  	vm1 =	vgt.f32 v6, v4;
	v7 =	vsel vm0, $0x1, v3  }
0x1c4: {  	v8 =	vsel vm1, $0x1, v3;
	(xrf0) =	vadd.scan.msk.s32 $0xffff, v7  }
0x1c5: {  	(xrf0) =	vadd.scan.msk.s32 $0xffff, v8;
	_ =	sdelay $0x2  }
0x1c6: {  	v7 =	vmov s14  }
0x1c7: {  	v7 =	vadd.s32 $0xFFFFFFFF, v7  }
0x1c8: {  	v7 =	vbroadcast v7, $0x0;
	v8, _, _ =	vpop (xrf0)  }
0x1c9: {  	v9 =	vadd.s32 s14, v8;
	v10, _, _ =	vpop (xrf0)  }
0x1ca: {  	v7 =	vadd.s32 v10, v7;
	v11 =	vsub.s32 $0x20, v9  }
0x1cb: {  	v7 =	vsel vm1, v7, v11  }
0x1cc: {  	p1 =	sne.s32 s16, $0x1;
	(v2sf) =	vpush v8, $0xF;
	vm3 =	vgt.s32 v7, $0x0  }
.Ltmp33:
0x1cd: {  	vm2 =	vle.s32 v9, v5;
	v8 =	vnsel vm3, $0x0, v7;
	v7 =	vld [tilespmem:s17+$0x0];
	(pc) =	sbr.rel @!p1 .LBB2_42-.Ltmp33, $4  }
0x1ce: {  	(v2sf) =	vpush v10, $0xF;
	vm0 =	vmand vm0, vm2  }
0x1cf: {  	vm0 =	vmor vm1, vm0  }
0x1d0: {  	s16 =	sadd.s32 $0xFFFFFFFF, s16;
	p0 =	por $0x1, $0x1;
	s20 =	simm.s32 $0x10000  }
0x1d1: {  	s18 =	simm.s32 $0x0;
	s21 =	simm.s32 $0x0;
	s19 =	simm.s32 $0x11000;
	v8 =	vmin.u32 v8, $0x1F  }
.LBB2_43:
0x1d2: {  	p1 =	sne.s32 s16, $0x1;
	_ =	sdelay $0x1  }
0x1d3: {  	v6 =	vmax.f32 v6, $0.0e+00  }
0x1d4: {  	[tilespmem:v7+s9+$0x0] =	vst.idx.msk vm0, v6  }
0x1d5: {  	s20 =	sadd.s32 $0x10, s20;
	[tilespmem:v8+s10+$0x0] =	vst.idx.msk vm0, v7  }
0x1d6: {  	v6 =	vld [tilespmem:s20+$0x0];
	_ =	sdelay $0x3  }
0x1d7: {  	s22 =	spop (v2sf)  }
0x1d8: {  	vm1 =	veq.f32 v6, v4;
	s18 =	sadd.s32 s18, s22  }
0x1d9: {  	vm0 =	vgt.f32 v6, v4;
	v7 =	vsel vm1, $0x1, v3;
	s22 =	spop (v2sf)  }
0x1da: {  	v8 =	vsel vm0, $0x1, v3;
	(xrf0) =	vadd.scan.msk.s32 $0xffff, v7;
	s21 =	sadd.s32 s21, s22  }
0x1db: {  	(xrf0) =	vadd.scan.msk.s32 $0xffff, v8;
	_ =	sdelay $0x2  }
0x1dc: {  	v10 =	vmov s21  }
0x1dd: {  	v9 =	vadd.s32 $0xFFFFFFFF, v10  }
0x1de: {  	v8 =	vbroadcast v9, $0x0;
	v7, _, _ =	vpop (xrf0)  }
0x1df: {  	s19 =	sadd.s32 $0x10, s19;
	v9 =	vadd.s32 s18, v7;
	v10, _, _ =	vpop (xrf0);
	(v2sf) =	vpush v7, $0xF  }
.Ltmp34:
0x1e0: {  	v7 =	vld [tilespmem:s19+$0x0];
	vm2 =	vle.s32 v9, v5;
	v8 =	vadd.s32 v10, v8;
	v9 =	vsub.s32 $0x20, v9;
	(pc) =	sbr.rel @p1 .LBB2_43-.Ltmp34, $4  }
0x1e1: {  	vm1 =	vmand vm1, vm2;
	v8 =	vsel vm0, v8, v9;
	(v2sf) =	vpush v10, $0xF  }
0x1e2: {  	vm0 =	vmor vm0, vm1;
	vm1 =	vgt.s32 v8, $0x0  }
0x1e3: {  	v8 =	vnsel vm1, $0x0, v8  }
0x1e4: {  	s16 =	sadd.s32 $0xFFFFFFFF, s16;
	v8 =	vmin.u32 v8, $0x1F  }
.Ltmp35:
0x1e5: {  	_ = 	snop;
	(pc) =	sbr.rel .LBB2_44-.Ltmp35, $1  }
0x1e6: {  	_ =	sdelay $0x3  }
.LBB2_29:
.Ltmp36:
0x1e7: {  	(pc) =	sbr.rel .LBB2_40-.Ltmp36, $2  }
0x1e8: {  	_ =	sdelay $0x2  }
0x1e9: {  	s17 =	simm.s32 $0x0;
	p5 =	por $0x0, $0x0  }
.LBB2_31:
.Ltmp37:
0x1ea: {  	(pc) =	sbr.rel .LBB2_40-.Ltmp37, $2  }
0x1eb: {  	_ =	sdelay $0x2  }
0x1ec: {  	s17 =	simm.s32 $0x0;
	p5 =	por $0x0, $0x0  }
.LBB2_33:
.Ltmp38:
0x1ed: {  	(pc) =	sbr.rel .LBB2_40-.Ltmp38, $2  }
0x1ee: {  	_ =	sdelay $0x2  }
0x1ef: {  	s17 =	simm.s32 $0x0;
	p5 =	por $0x0, $0x0  }
.LBB2_35:
.Ltmp39:
0x1f0: {  	(pc) =	sbr.rel .LBB2_40-.Ltmp39, $2  }
0x1f1: {  	_ =	sdelay $0x2  }
0x1f2: {  	s17 =	simm.s32 $0x0;
	p5 =	por $0x0, $0x0  }
.LBB2_37:
.Ltmp40:
0x1f3: {  	(pc) =	sbr.rel .LBB2_40-.Ltmp40, $2  }
0x1f4: {  	_ =	sdelay $0x2  }
0x1f5: {  	s17 =	simm.s32 $0x0  }
.LBB2_47:
0x1f6: {  	_ =	sfence.sel $0x180000  }
0x1f7: {  	[bflag:$0x0] =	sbarrier.arrive $0xFFFF  }
0x1f8: {  	p0 =	sne.s32 s3, $0x0;
	_ =	strace $0x90000047  }
0x1f9: {  	s0 =	sadd.s32 @!p0 $0x100000, s0;
	[bflag:$0x2] =	sbarrier.arrive $0xFFFF  }
0x1fa: {  	[sflag:s0] =	ssyncadd.tile.s32 @!p0 $0x1;
	_ =	shalt  }
.Lfunc_end2:
_tile_overlayer_lowered:
.L_overlay_start_2:
0x1fb: {  	(tag) =	ssettag $0x2  }
0x1fc: {  	s0 =	rddreg [dreg:$0x0];
	s2 =	stileid.u32  }
0x1fd: {  	s1 =	rddreg [dreg:$0x1];
	p0 =	sne.s32 s2, $0x0  }
0x1fe: {  	s3 =	rddreg [dreg:$0x2];
	[bflag:$0x3] =	sbarrier.arrive $0xFFFF;
	s2 =	simm.s32 @!p0 $0x1C01  }
0x1ff: {  	[timem:s3], [sflag:s2] =	dma.local @!p0 [hbm:s0], s1  }
0x200: {  	s0 =	simm.s32 @!p0 $0x1  }
0x201: {  	_ =	swait.ge @!p0 [sflag:s0], s1  }
0x202: {  	s1 =	ssub.s32 @!p0 $0x0, s1;
	[sflag:s0] =	ssyncset.done @!p0 $0x0  }
0x203: {  	[sflag:s0] =	ssyncadd.s32 @!p0 s1  }
0x204: {  	[bflag:$0x3] =	sbarrier.arrive $0xFFFF  }
0x205: {  	_ =	shalt  }

</sc_bundles>
